<compile_context>
chip_gen: v7x
topology: tpu7x:2x2x1
jax: 0.10.2.dev20260603
libtpu: 0.0.44.dev20260713+nightly
codegen_flags: <defaults>
</compile_context>

<pallas_src>
import functools

import jax
import jax.numpy as jnp
from jax import lax
from jax.experimental import pallas as pl
from jax.experimental.pallas import tpu as pltpu
from jax.experimental.pallas import tpu_sc as plsc

EMBED = 128
SEQ = 50
SC_K = 2
NBUF = 8
AHEAD = NBUF - 2


def _make_gather(num_rows: int):
  info = plsc.get_sparse_core_info()
  nc, ns = info.num_cores, info.num_subcores
  nw = nc * ns
  assert num_rows % (nw * SC_K) == 0
  rows_per_w = num_rows // nw
  T = rows_per_w // SC_K

  mesh = plsc.VectorSubcoreMesh(core_axis_name="c", subcore_axis_name="s")

  @functools.partial(
      pl.kernel,
      mesh=mesh,
      out_type=jax.ShapeDtypeStruct((num_rows, SEQ, EMBED), jnp.float32),
      scratch_types=(
          [pltpu.VMEM((rows_per_w, SEQ), jnp.int32)]
          + [pltpu.VMEM((SC_K, SEQ, EMBED), jnp.float32) for _ in range(NBUF)]
          + [pltpu.SemaphoreType.DMA for _ in range(2 * NBUF)]
      ),
  )
  def gather_kernel(idx_hbm, table_hbm, out_hbm, idx_v, *rest):
    bufs = rest[:NBUF]
    gsem = rest[NBUF:2 * NBUF]
    ssem = rest[2 * NBUF:]
    wid = lax.axis_index("s") * nc + lax.axis_index("c")
    pltpu.sync_copy(idx_hbm.at[wid], idx_v)
    row0 = wid * rows_per_w

    def g_start(b, j):
      for i in range(SC_K):
        pltpu.async_copy(
            table_hbm.at[idx_v.at[j * SC_K + i]], bufs[b].at[i], gsem[b])

    def g_wait(b):
      pltpu.make_async_copy(
          out_hbm.at[pl.ds(0, SC_K)], bufs[b], gsem[b]).wait()

    def s_start(b, j):
      pltpu.async_copy(
          bufs[b], out_hbm.at[pl.ds(row0 + j * SC_K, SC_K)], ssem[b])

    def s_wait(b):
      pltpu.make_async_copy(
          bufs[b], out_hbm.at[pl.ds(0, SC_K)], ssem[b]).wait()

    for j in range(AHEAD):
      g_start(j % NBUF, j)
    for j in range(2):
      g_start((j + AHEAD) % NBUF, j + AHEAD)
      g_wait(j % NBUF)
      s_start(j % NBUF, j)

    main_lo, main_hi = 2, T - AHEAD
    n_iters = main_hi - main_lo
    n_outer = n_iters // NBUF
    n_rem = n_iters % NBUF

    def outer(t, carry):
      for i in range(NBUF):
        j = main_lo + t * NBUF + i
        b = (main_lo + i) % NBUF
        s_wait((b - 2) % NBUF)
        g_start((b + AHEAD) % NBUF, j + AHEAD)
        g_wait(b)
        s_start(b, j)
      return carry

    lax.fori_loop(0, n_outer, outer, 0)
    for k in range(n_rem):
      j = main_lo + n_outer * NBUF + k
      b = (main_lo + k) % NBUF
      s_wait((b - 2) % NBUF)
      g_start((b + AHEAD) % NBUF, j + AHEAD)
      g_wait(b)
      s_start(b, j)
    for j in range(T - AHEAD, T):
      b = j % NBUF
      s_wait((b - 2) % NBUF)
      g_wait(b)
      s_start(b, j)
    s_wait((T - 2) % NBUF)
    s_wait((T - 1) % NBUF)

  return gather_kernel


def kernel(x, table):
  num_rows, seq = x.shape
  assert seq == SEQ
  info = plsc.get_sparse_core_info()
  nw = info.num_cores * info.num_subcores
  idx3 = x.astype(jnp.int32).reshape(nw, num_rows // nw, SEQ)
  return _make_gather(num_rows)(idx3, table)

# --- scband reference (transcript-rebuilt; emitter-appended) ---
"""Pipeline reference for scband-token-embedding-6493990551629 (READ-ONLY COPY).

The authoritative reference and input builder live on the scoring server;
editing this copy changes nothing except your own understanding.
"""

import jax, jax.numpy as jnp
import numpy as np

VOCAB = 100000
EMBED = 128
PAD_IDX = 0

def setup_inputs(seed: int = 0) -> dict:
    key = jax.random.key(seed)
    k1, k2 = jax.random.split(key)
    x = jax.random.randint(k1, (4096, 50), 0, VOCAB, dtype=jnp.int64 if jax.config.jax_enable_x64 else jnp.int32)
    table = jax.random.normal(k2, (VOCAB, EMBED), dtype=jnp.float32)
    # nn.Embedding with padding_idx initializes that row to zeros
    table = table.at[PAD_IDX].set(0.0)
    return {"x": x, "table": table}

def reference(x, table):
    # TokenEmbedding.forward: self.embedding(x) -> gather rows
    return jnp.take(table, x, axis=0)

if __name__ == "__main__":
    import jax
    _d = setup_inputs()
    print(jax.jit(kernel)(*tuple(_d.values())))

</pallas_src>

<mosaic_0001>
#map = affine_map<(d0, d1) -> (0, 0, 0)>
#map1 = affine_map<(d0, d1) -> (0, 0)>
module attributes {stable_mosaic.version = 14 : i64} {
  func.func @gather_kernel(%arg0: i32, %arg1: i32, %arg2: memref<32x128x50xi32, #tpu.memory_space<hbm>>, %arg3: memref<100000x128xf32, #tpu.memory_space<hbm>>, %arg4: memref<4096x50x128xf32, #tpu.memory_space<hbm>>, %arg5: memref<128x50xi32, #tpu.memory_space<vmem>>, %arg6: memref<2x50x128xf32, #tpu.memory_space<vmem>>, %arg7: memref<2x50x128xf32, #tpu.memory_space<vmem>>, %arg8: memref<2x50x128xf32, #tpu.memory_space<vmem>>, %arg9: memref<2x50x128xf32, #tpu.memory_space<vmem>>, %arg10: memref<2x50x128xf32, #tpu.memory_space<vmem>>, %arg11: memref<2x50x128xf32, #tpu.memory_space<vmem>>, %arg12: memref<2x50x128xf32, #tpu.memory_space<vmem>>, %arg13: memref<2x50x128xf32, #tpu.memory_space<vmem>>, %arg14: memref<!tpu.dma_semaphore, #tpu.memory_space<semaphore_mem>>, %arg15: memref<!tpu.dma_semaphore, #tpu.memory_space<semaphore_mem>>, %arg16: memref<!tpu.dma_semaphore, #tpu.memory_space<semaphore_mem>>, %arg17: memref<!tpu.dma_semaphore, #tpu.memory_space<semaphore_mem>>, %arg18: memref<!tpu.dma_semaphore, #tpu.memory_space<semaphore_mem>>, %arg19: memref<!tpu.dma_semaphore, #tpu.memory_space<semaphore_mem>>, %arg20: memref<!tpu.dma_semaphore, #tpu.memory_space<semaphore_mem>>, %arg21: memref<!tpu.dma_semaphore, #tpu.memory_space<semaphore_mem>>, %arg22: memref<!tpu.dma_semaphore, #tpu.memory_space<semaphore_mem>>, %arg23: memref<!tpu.dma_semaphore, #tpu.memory_space<semaphore_mem>>, %arg24: memref<!tpu.dma_semaphore, #tpu.memory_space<semaphore_mem>>, %arg25: memref<!tpu.dma_semaphore, #tpu.memory_space<semaphore_mem>>, %arg26: memref<!tpu.dma_semaphore, #tpu.memory_space<semaphore_mem>>, %arg27: memref<!tpu.dma_semaphore, #tpu.memory_space<semaphore_mem>>, %arg28: memref<!tpu.dma_semaphore, #tpu.memory_space<semaphore_mem>>, %arg29: memref<!tpu.dma_semaphore, #tpu.memory_space<semaphore_mem>>) attributes {dimension_semantics = [#tpu.dimension_semantics<core_parallel>, #tpu.dimension_semantics<subcore_parallel>], iteration_bounds = array<i64: 2, 16>, scalar_prefetch = 0 : i64, scratch_operands = 25 : i64, tpu.core_type = #tpu.core_type<sc_vector_subcore>, window_params = [{transform_indices = #map}, {transform_indices = #map1}, {transform_indices = #map}]} {
    %mul3A = arith.constant 2 : i32
    %mul3A_0 = arith.muli %arg1, %mul3A : i32
    %add3A = arith.addi %mul3A_0, %arg0 : i32
    "tpu.region"() ({
      %run_scoped3A = tpu.sem_alloc : memref<!tpu.dma_semaphore, #tpu.memory_space<semaphore_mem>>
      %dma_start3A_390 = arith.constant 0 : i32
      %dma_start3A_391 = arith.constant 0 : i32
      %dma_start3A_392 = tpu.memref_slice %arg2[%add3A, %dma_start3A_390, %dma_start3A_391] : memref<32x128x50xi32, #tpu.memory_space<hbm>> -> memref<1x128x50xi32, #tpu.memory_space<hbm>>
      %dma_start3A_393 = tpu.memref_squeeze %dma_start3A_392 : memref<1x128x50xi32, #tpu.memory_space<hbm>> -> memref<128x50xi32, #tpu.memory_space<hbm>>
      %dma_start3A_394 = arith.constant 0 : i32
      %dma_start3A_395 = arith.constant 0 : i32
      %dma_start3A_396 = tpu.memref_slice %arg2[%add3A, %dma_start3A_394, %dma_start3A_395] : memref<32x128x50xi32, #tpu.memory_space<hbm>> -> memref<1x128x50xi32, #tpu.memory_space<hbm>>
      %dma_start3A_397 = tpu.memref_squeeze %dma_start3A_396 : memref<1x128x50xi32, #tpu.memory_space<hbm>> -> memref<128x50xi32, #tpu.memory_space<hbm>>
      tpu.enqueue_dma source(%dma_start3A_397 : memref<128x50xi32, #tpu.memory_space<hbm>>) target(%arg5 : memref<128x50xi32, #tpu.memory_space<vmem>>) target_semaphore(%run_scoped3A : memref<!tpu.dma_semaphore, #tpu.memory_space<semaphore_mem>>)
      %dma_wait3A_398 = arith.constant 0 : i32
      %dma_wait3A_399 = arith.constant 0 : i32
      %dma_wait3A_400 = tpu.memref_slice %arg2[%add3A, %dma_wait3A_398, %dma_wait3A_399] : memref<32x128x50xi32, #tpu.memory_space<hbm>> -> memref<1x128x50xi32, #tpu.memory_space<hbm>>
      %dma_wait3A_401 = tpu.memref_squeeze %dma_wait3A_400 : memref<1x128x50xi32, #tpu.memory_space<hbm>> -> memref<128x50xi32, #tpu.memory_space<hbm>>
      %dma_wait3A_402 = arith.constant 0 : i32
      %dma_wait3A_403 = arith.constant 0 : i32
      %dma_wait3A_404 = tpu.memref_slice %arg2[%add3A, %dma_wait3A_402, %dma_wait3A_403] : memref<32x128x50xi32, #tpu.memory_space<hbm>> -> memref<1x128x50xi32, #tpu.memory_space<hbm>>
      %dma_wait3A_405 = tpu.memref_squeeze %dma_wait3A_404 : memref<1x128x50xi32, #tpu.memory_space<hbm>> -> memref<128x50xi32, #tpu.memory_space<hbm>>
      tpu.wait_dma2 semaphore(%run_scoped3A : memref<!tpu.dma_semaphore, #tpu.memory_space<semaphore_mem>>) src(%dma_wait3A_405 : memref<128x50xi32, #tpu.memory_space<hbm>>) dst(%arg5 : memref<128x50xi32, #tpu.memory_space<vmem>>)
      tpu.yield
    }) : () -> ()
    %mul3A_1 = arith.constant 128 : i32
    %mul3A_2 = arith.muli %add3A, %mul3A_1 : i32
    %dma_start3A = arith.constant 0 : i32
    %dma_start3A_3 = arith.constant 0 : i32
    %dma_start3A_4 = arith.constant 0 : i32
    %dma_start3A_5 = arith.constant 0 : i32
    %dma_start3A_6 = tpu.memref_slice %arg6[%dma_start3A_3, %dma_start3A_4, %dma_start3A_5] : memref<2x50x128xf32, #tpu.memory_space<vmem>> -> memref<1x50x128xf32, #tpu.memory_space<vmem>>
    %dma_start3A_7 = tpu.memref_squeeze %dma_start3A_6 : memref<1x50x128xf32, #tpu.memory_space<vmem>> -> memref<50x128xf32, #tpu.memory_space<vmem>>
    %dma_start3A_8 = arith.constant 0 : i32
    %dma_start3A_9 = tpu.memref_slice %arg5[%dma_start3A, %dma_start3A_8] : memref<128x50xi32, #tpu.memory_space<vmem>> -> memref<1x50xi32, #tpu.memory_space<vmem>>
    %dma_start3A_10 = tpu.memref_squeeze %dma_start3A_9 : memref<1x50xi32, #tpu.memory_space<vmem>> -> memref<50xi32, #tpu.memory_space<vmem>>
    %dma_start3A_11 = arith.constant 0 : i32
    %dma_start3A_12 = arith.constant 0 : i32
    %dma_start3A_13 = tpu.memref_slice %arg3[%dma_start3A_11, %dma_start3A_12] : memref<100000x128xf32, #tpu.memory_space<hbm>> -> memref<100000x128xf32, #tpu.memory_space<hbm>>
    tpu.enqueue_indirect_dma source(%dma_start3A_13 : memref<100000x128xf32, #tpu.memory_space<hbm>>) target(%dma_start3A_7 : memref<50x128xf32, #tpu.memory_space<vmem>>) offsets(%dma_start3A_10 : memref<50xi32, #tpu.memory_space<vmem>>) semaphore(%arg14 : memref<!tpu.dma_semaphore, #tpu.memory_space<semaphore_mem>>)
    %dma_start3A_14 = arith.constant 1 : i32
    %dma_start3A_15 = arith.constant 1 : i32
    %dma_start3A_16 = arith.constant 0 : i32
    %dma_start3A_17 = arith.constant 0 : i32
    %dma_start3A_18 = tpu.memref_slice %arg6[%dma_start3A_15, %dma_start3A_16, %dma_start3A_17] : memref<2x50x128xf32, #tpu.memory_space<vmem>> -> memref<1x50x128xf32, #tpu.memory_space<vmem>>
    %dma_start3A_19 = tpu.memref_squeeze %dma_start3A_18 : memref<1x50x128xf32, #tpu.memory_space<vmem>> -> memref<50x128xf32, #tpu.memory_space<vmem>>
    %dma_start3A_20 = arith.constant 0 : i32
    %dma_start3A_21 = tpu.memref_slice %arg5[%dma_start3A_14, %dma_start3A_20] : memref<128x50xi32, #tpu.memory_space<vmem>> -> memref<1x50xi32, #tpu.memory_space<vmem>>
    %dma_start3A_22 = tpu.memref_squeeze %dma_start3A_21 : memref<1x50xi32, #tpu.memory_space<vmem>> -> memref<50xi32, #tpu.memory_space<vmem>>
    %dma_start3A_23 = arith.constant 0 : i32
    %dma_start3A_24 = arith.constant 0 : i32
    %dma_start3A_25 = tpu.memref_slice %arg3[%dma_start3A_23, %dma_start3A_24] : memref<100000x128xf32, #tpu.memory_space<hbm>> -> memref<100000x128xf32, #tpu.memory_space<hbm>>
    tpu.enqueue_indirect_dma source(%dma_start3A_25 : memref<100000x128xf32, #tpu.memory_space<hbm>>) target(%dma_start3A_19 : memref<50x128xf32, #tpu.memory_space<vmem>>) offsets(%dma_start3A_22 : memref<50xi32, #tpu.memory_space<vmem>>) semaphore(%arg14 : memref<!tpu.dma_semaphore, #tpu.memory_space<semaphore_mem>>)
    %dma_start3A_26 = arith.constant 2 : i32
    %dma_start3A_27 = arith.constant 0 : i32
    %dma_start3A_28 = arith.constant 0 : i32
    %dma_start3A_29 = arith.constant 0 : i32
    %dma_start3A_30 = tpu.memref_slice %arg7[%dma_start3A_27, %dma_start3A_28, %dma_start3A_29] : memref<2x50x128xf32, #tpu.memory_space<vmem>> -> memref<1x50x128xf32, #tpu.memory_space<vmem>>
    %dma_start3A_31 = tpu.memref_squeeze %dma_start3A_30 : memref<1x50x128xf32, #tpu.memory_space<vmem>> -> memref<50x128xf32, #tpu.memory_space<vmem>>
    %dma_start3A_32 = arith.constant 0 : i32
    %dma_start3A_33 = tpu.memref_slice %arg5[%dma_start3A_26, %dma_start3A_32] : memref<128x50xi32, #tpu.memory_space<vmem>> -> memref<1x50xi32, #tpu.memory_space<vmem>>
    %dma_start3A_34 = tpu.memref_squeeze %dma_start3A_33 : memref<1x50xi32, #tpu.memory_space<vmem>> -> memref<50xi32, #tpu.memory_space<vmem>>
    %dma_start3A_35 = arith.constant 0 : i32
    %dma_start3A_36 = arith.constant 0 : i32
    %dma_start3A_37 = tpu.memref_slice %arg3[%dma_start3A_35, %dma_start3A_36] : memref<100000x128xf32, #tpu.memory_space<hbm>> -> memref<100000x128xf32, #tpu.memory_space<hbm>>
    tpu.enqueue_indirect_dma source(%dma_start3A_37 : memref<100000x128xf32, #tpu.memory_space<hbm>>) target(%dma_start3A_31 : memref<50x128xf32, #tpu.memory_space<vmem>>) offsets(%dma_start3A_34 : memref<50xi32, #tpu.memory_space<vmem>>) semaphore(%arg15 : memref<!tpu.dma_semaphore, #tpu.memory_space<semaphore_mem>>)
    %dma_start3A_38 = arith.constant 3 : i32
    %dma_start3A_39 = arith.constant 1 : i32
    %dma_start3A_40 = arith.constant 0 : i32
    %dma_start3A_41 = arith.constant 0 : i32
    %dma_start3A_42 = tpu.memref_slice %arg7[%dma_start3A_39, %dma_start3A_40, %dma_start3A_41] : memref<2x50x128xf32, #tpu.memory_space<vmem>> -> memref<1x50x128xf32, #tpu.memory_space<vmem>>
    %dma_start3A_43 = tpu.memref_squeeze %dma_start3A_42 : memref<1x50x128xf32, #tpu.memory_space<vmem>> -> memref<50x128xf32, #tpu.memory_space<vmem>>
    %dma_start3A_44 = arith.constant 0 : i32
    %dma_start3A_45 = tpu.memref_slice %arg5[%dma_start3A_38, %dma_start3A_44] : memref<128x50xi32, #tpu.memory_space<vmem>> -> memref<1x50xi32, #tpu.memory_space<vmem>>
    %dma_start3A_46 = tpu.memref_squeeze %dma_start3A_45 : memref<1x50xi32, #tpu.memory_space<vmem>> -> memref<50xi32, #tpu.memory_space<vmem>>
    %dma_start3A_47 = arith.constant 0 : i32
    %dma_start3A_48 = arith.constant 0 : i32
    %dma_start3A_49 = tpu.memref_slice %arg3[%dma_start3A_47, %dma_start3A_48] : memref<100000x128xf32, #tpu.memory_space<hbm>> -> memref<100000x128xf32, #tpu.memory_space<hbm>>
    tpu.enqueue_indirect_dma source(%dma_start3A_49 : memref<100000x128xf32, #tpu.memory_space<hbm>>) target(%dma_start3A_43 : memref<50x128xf32, #tpu.memory_space<vmem>>) offsets(%dma_start3A_46 : memref<50xi32, #tpu.memory_space<vmem>>) semaphore(%arg15 : memref<!tpu.dma_semaphore, #tpu.memory_space<semaphore_mem>>)
    %dma_start3A_50 = arith.constant 4 : i32
    %dma_start3A_51 = arith.constant 0 : i32
    %dma_start3A_52 = arith.constant 0 : i32
    %dma_start3A_53 = arith.constant 0 : i32
    %dma_start3A_54 = tpu.memref_slice %arg8[%dma_start3A_51, %dma_start3A_52, %dma_start3A_53] : memref<2x50x128xf32, #tpu.memory_space<vmem>> -> memref<1x50x128xf32, #tpu.memory_space<vmem>>
    %dma_start3A_55 = tpu.memref_squeeze %dma_start3A_54 : memref<1x50x128xf32, #tpu.memory_space<vmem>> -> memref<50x128xf32, #tpu.memory_space<vmem>>
    %dma_start3A_56 = arith.constant 0 : i32
    %dma_start3A_57 = tpu.memref_slice %arg5[%dma_start3A_50, %dma_start3A_56] : memref<128x50xi32, #tpu.memory_space<vmem>> -> memref<1x50xi32, #tpu.memory_space<vmem>>
    %dma_start3A_58 = tpu.memref_squeeze %dma_start3A_57 : memref<1x50xi32, #tpu.memory_space<vmem>> -> memref<50xi32, #tpu.memory_space<vmem>>
    %dma_start3A_59 = arith.constant 0 : i32
    %dma_start3A_60 = arith.constant 0 : i32
    %dma_start3A_61 = tpu.memref_slice %arg3[%dma_start3A_59, %dma_start3A_60] : memref<100000x128xf32, #tpu.memory_space<hbm>> -> memref<100000x128xf32, #tpu.memory_space<hbm>>
    tpu.enqueue_indirect_dma source(%dma_start3A_61 : memref<100000x128xf32, #tpu.memory_space<hbm>>) target(%dma_start3A_55 : memref<50x128xf32, #tpu.memory_space<vmem>>) offsets(%dma_start3A_58 : memref<50xi32, #tpu.memory_space<vmem>>) semaphore(%arg16 : memref<!tpu.dma_semaphore, #tpu.memory_space<semaphore_mem>>)
    %dma_start3A_62 = arith.constant 5 : i32
    %dma_start3A_63 = arith.constant 1 : i32
    %dma_start3A_64 = arith.constant 0 : i32
    %dma_start3A_65 = arith.constant 0 : i32
    %dma_start3A_66 = tpu.memref_slice %arg8[%dma_start3A_63, %dma_start3A_64, %dma_start3A_65] : memref<2x50x128xf32, #tpu.memory_space<vmem>> -> memref<1x50x128xf32, #tpu.memory_space<vmem>>
    %dma_start3A_67 = tpu.memref_squeeze %dma_start3A_66 : memref<1x50x128xf32, #tpu.memory_space<vmem>> -> memref<50x128xf32, #tpu.memory_space<vmem>>
    %dma_start3A_68 = arith.constant 0 : i32
    %dma_start3A_69 = tpu.memref_slice %arg5[%dma_start3A_62, %dma_start3A_68] : memref<128x50xi32, #tpu.memory_space<vmem>> -> memref<1x50xi32, #tpu.memory_space<vmem>>
    %dma_start3A_70 = tpu.memref_squeeze %dma_start3A_69 : memref<1x50xi32, #tpu.memory_space<vmem>> -> memref<50xi32, #tpu.memory_space<vmem>>
    %dma_start3A_71 = arith.constant 0 : i32
    %dma_start3A_72 = arith.constant 0 : i32
    %dma_start3A_73 = tpu.memref_slice %arg3[%dma_start3A_71, %dma_start3A_72] : memref<100000x128xf32, #tpu.memory_space<hbm>> -> memref<100000x128xf32, #tpu.memory_space<hbm>>
    tpu.enqueue_indirect_dma source(%dma_start3A_73 : memref<100000x128xf32, #tpu.memory_space<hbm>>) target(%dma_start3A_67 : memref<50x128xf32, #tpu.memory_space<vmem>>) offsets(%dma_start3A_70 : memref<50xi32, #tpu.memory_space<vmem>>) semaphore(%arg16 : memref<!tpu.dma_semaphore, #tpu.memory_space<semaphore_mem>>)
    %dma_start3A_74 = arith.constant 6 : i32
    %dma_start3A_75 = arith.constant 0 : i32
    %dma_start3A_76 = arith.constant 0 : i32
    %dma_start3A_77 = arith.constant 0 : i32
    %dma_start3A_78 = tpu.memref_slice %arg9[%dma_start3A_75, %dma_start3A_76, %dma_start3A_77] : memref<2x50x128xf32, #tpu.memory_space<vmem>> -> memref<1x50x128xf32, #tpu.memory_space<vmem>>
    %dma_start3A_79 = tpu.memref_squeeze %dma_start3A_78 : memref<1x50x128xf32, #tpu.memory_space<vmem>> -> memref<50x128xf32, #tpu.memory_space<vmem>>
    %dma_start3A_80 = arith.constant 0 : i32
    %dma_start3A_81 = tpu.memref_slice %arg5[%dma_start3A_74, %dma_start3A_80] : memref<128x50xi32, #tpu.memory_space<vmem>> -> memref<1x50xi32, #tpu.memory_space<vmem>>
    %dma_start3A_82 = tpu.memref_squeeze %dma_start3A_81 : memref<1x50xi32, #tpu.memory_space<vmem>> -> memref<50xi32, #tpu.memory_space<vmem>>
    %dma_start3A_83 = arith.constant 0 : i32
    %dma_start3A_84 = arith.constant 0 : i32
    %dma_start3A_85 = tpu.memref_slice %arg3[%dma_start3A_83, %dma_start3A_84] : memref<100000x128xf32, #tpu.memory_space<hbm>> -> memref<100000x128xf32, #tpu.memory_space<hbm>>
    tpu.enqueue_indirect_dma source(%dma_start3A_85 : memref<100000x128xf32, #tpu.memory_space<hbm>>) target(%dma_start3A_79 : memref<50x128xf32, #tpu.memory_space<vmem>>) offsets(%dma_start3A_82 : memref<50xi32, #tpu.memory_space<vmem>>) semaphore(%arg17 : memref<!tpu.dma_semaphore, #tpu.memory_space<semaphore_mem>>)
    %dma_start3A_86 = arith.constant 7 : i32
    %dma_start3A_87 = arith.constant 1 : i32
    %dma_start3A_88 = arith.constant 0 : i32
    %dma_start3A_89 = arith.constant 0 : i32
    %dma_start3A_90 = tpu.memref_slice %arg9[%dma_start3A_87, %dma_start3A_88, %dma_start3A_89] : memref<2x50x128xf32, #tpu.memory_space<vmem>> -> memref<1x50x128xf32, #tpu.memory_space<vmem>>
    %dma_start3A_91 = tpu.memref_squeeze %dma_start3A_90 : memref<1x50x128xf32, #tpu.memory_space<vmem>> -> memref<50x128xf32, #tpu.memory_space<vmem>>
    %dma_start3A_92 = arith.constant 0 : i32
    %dma_start3A_93 = tpu.memref_slice %arg5[%dma_start3A_86, %dma_start3A_92] : memref<128x50xi32, #tpu.memory_space<vmem>> -> memref<1x50xi32, #tpu.memory_space<vmem>>
    %dma_start3A_94 = tpu.memref_squeeze %dma_start3A_93 : memref<1x50xi32, #tpu.memory_space<vmem>> -> memref<50xi32, #tpu.memory_space<vmem>>
    %dma_start3A_95 = arith.constant 0 : i32
    %dma_start3A_96 = arith.constant 0 : i32
    %dma_start3A_97 = tpu.memref_slice %arg3[%dma_start3A_95, %dma_start3A_96] : memref<100000x128xf32, #tpu.memory_space<hbm>> -> memref<100000x128xf32, #tpu.memory_space<hbm>>
    tpu.enqueue_indirect_dma source(%dma_start3A_97 : memref<100000x128xf32, #tpu.memory_space<hbm>>) target(%dma_start3A_91 : memref<50x128xf32, #tpu.memory_space<vmem>>) offsets(%dma_start3A_94 : memref<50xi32, #tpu.memory_space<vmem>>) semaphore(%arg17 : memref<!tpu.dma_semaphore, #tpu.memory_space<semaphore_mem>>)
    %dma_start3A_98 = arith.constant 8 : i32
    %dma_start3A_99 = arith.constant 0 : i32
    %dma_start3A_100 = arith.constant 0 : i32
    %dma_start3A_101 = arith.constant 0 : i32
    %dma_start3A_102 = tpu.memref_slice %arg10[%dma_start3A_99, %dma_start3A_100, %dma_start3A_101] : memref<2x50x128xf32, #tpu.memory_space<vmem>> -> memref<1x50x128xf32, #tpu.memory_space<vmem>>
    %dma_start3A_103 = tpu.memref_squeeze %dma_start3A_102 : memref<1x50x128xf32, #tpu.memory_space<vmem>> -> memref<50x128xf32, #tpu.memory_space<vmem>>
    %dma_start3A_104 = arith.constant 0 : i32
    %dma_start3A_105 = tpu.memref_slice %arg5[%dma_start3A_98, %dma_start3A_104] : memref<128x50xi32, #tpu.memory_space<vmem>> -> memref<1x50xi32, #tpu.memory_space<vmem>>
    %dma_start3A_106 = tpu.memref_squeeze %dma_start3A_105 : memref<1x50xi32, #tpu.memory_space<vmem>> -> memref<50xi32, #tpu.memory_space<vmem>>
    %dma_start3A_107 = arith.constant 0 : i32
    %dma_start3A_108 = arith.constant 0 : i32
    %dma_start3A_109 = tpu.memref_slice %arg3[%dma_start3A_107, %dma_start3A_108] : memref<100000x128xf32, #tpu.memory_space<hbm>> -> memref<100000x128xf32, #tpu.memory_space<hbm>>
    tpu.enqueue_indirect_dma source(%dma_start3A_109 : memref<100000x128xf32, #tpu.memory_space<hbm>>) target(%dma_start3A_103 : memref<50x128xf32, #tpu.memory_space<vmem>>) offsets(%dma_start3A_106 : memref<50xi32, #tpu.memory_space<vmem>>) semaphore(%arg18 : memref<!tpu.dma_semaphore, #tpu.memory_space<semaphore_mem>>)
    %dma_start3A_110 = arith.constant 9 : i32
    %dma_start3A_111 = arith.constant 1 : i32
    %dma_start3A_112 = arith.constant 0 : i32
    %dma_start3A_113 = arith.constant 0 : i32
    %dma_start3A_114 = tpu.memref_slice %arg10[%dma_start3A_111, %dma_start3A_112, %dma_start3A_113] : memref<2x50x128xf32, #tpu.memory_space<vmem>> -> memref<1x50x128xf32, #tpu.memory_space<vmem>>
    %dma_start3A_115 = tpu.memref_squeeze %dma_start3A_114 : memref<1x50x128xf32, #tpu.memory_space<vmem>> -> memref<50x128xf32, #tpu.memory_space<vmem>>
    %dma_start3A_116 = arith.constant 0 : i32
    %dma_start3A_117 = tpu.memref_slice %arg5[%dma_start3A_110, %dma_start3A_116] : memref<128x50xi32, #tpu.memory_space<vmem>> -> memref<1x50xi32, #tpu.memory_space<vmem>>
    %dma_start3A_118 = tpu.memref_squeeze %dma_start3A_117 : memref<1x50xi32, #tpu.memory_space<vmem>> -> memref<50xi32, #tpu.memory_space<vmem>>
    %dma_start3A_119 = arith.constant 0 : i32
    %dma_start3A_120 = arith.constant 0 : i32
    %dma_start3A_121 = tpu.memref_slice %arg3[%dma_start3A_119, %dma_start3A_120] : memref<100000x128xf32, #tpu.memory_space<hbm>> -> memref<100000x128xf32, #tpu.memory_space<hbm>>
    tpu.enqueue_indirect_dma source(%dma_start3A_121 : memref<100000x128xf32, #tpu.memory_space<hbm>>) target(%dma_start3A_115 : memref<50x128xf32, #tpu.memory_space<vmem>>) offsets(%dma_start3A_118 : memref<50xi32, #tpu.memory_space<vmem>>) semaphore(%arg18 : memref<!tpu.dma_semaphore, #tpu.memory_space<semaphore_mem>>)
    %dma_start3A_122 = arith.constant 10 : i32
    %dma_start3A_123 = arith.constant 0 : i32
    %dma_start3A_124 = arith.constant 0 : i32
    %dma_start3A_125 = arith.constant 0 : i32
    %dma_start3A_126 = tpu.memref_slice %arg11[%dma_start3A_123, %dma_start3A_124, %dma_start3A_125] : memref<2x50x128xf32, #tpu.memory_space<vmem>> -> memref<1x50x128xf32, #tpu.memory_space<vmem>>
    %dma_start3A_127 = tpu.memref_squeeze %dma_start3A_126 : memref<1x50x128xf32, #tpu.memory_space<vmem>> -> memref<50x128xf32, #tpu.memory_space<vmem>>
    %dma_start3A_128 = arith.constant 0 : i32
    %dma_start3A_129 = tpu.memref_slice %arg5[%dma_start3A_122, %dma_start3A_128] : memref<128x50xi32, #tpu.memory_space<vmem>> -> memref<1x50xi32, #tpu.memory_space<vmem>>
    %dma_start3A_130 = tpu.memref_squeeze %dma_start3A_129 : memref<1x50xi32, #tpu.memory_space<vmem>> -> memref<50xi32, #tpu.memory_space<vmem>>
    %dma_start3A_131 = arith.constant 0 : i32
    %dma_start3A_132 = arith.constant 0 : i32
    %dma_start3A_133 = tpu.memref_slice %arg3[%dma_start3A_131, %dma_start3A_132] : memref<100000x128xf32, #tpu.memory_space<hbm>> -> memref<100000x128xf32, #tpu.memory_space<hbm>>
    tpu.enqueue_indirect_dma source(%dma_start3A_133 : memref<100000x128xf32, #tpu.memory_space<hbm>>) target(%dma_start3A_127 : memref<50x128xf32, #tpu.memory_space<vmem>>) offsets(%dma_start3A_130 : memref<50xi32, #tpu.memory_space<vmem>>) semaphore(%arg19 : memref<!tpu.dma_semaphore, #tpu.memory_space<semaphore_mem>>)
    %dma_start3A_134 = arith.constant 11 : i32
    %dma_start3A_135 = arith.constant 1 : i32
    %dma_start3A_136 = arith.constant 0 : i32
    %dma_start3A_137 = arith.constant 0 : i32
    %dma_start3A_138 = tpu.memref_slice %arg11[%dma_start3A_135, %dma_start3A_136, %dma_start3A_137] : memref<2x50x128xf32, #tpu.memory_space<vmem>> -> memref<1x50x128xf32, #tpu.memory_space<vmem>>
    %dma_start3A_139 = tpu.memref_squeeze %dma_start3A_138 : memref<1x50x128xf32, #tpu.memory_space<vmem>> -> memref<50x128xf32, #tpu.memory_space<vmem>>
    %dma_start3A_140 = arith.constant 0 : i32
    %dma_start3A_141 = tpu.memref_slice %arg5[%dma_start3A_134, %dma_start3A_140] : memref<128x50xi32, #tpu.memory_space<vmem>> -> memref<1x50xi32, #tpu.memory_space<vmem>>
    %dma_start3A_142 = tpu.memref_squeeze %dma_start3A_141 : memref<1x50xi32, #tpu.memory_space<vmem>> -> memref<50xi32, #tpu.memory_space<vmem>>
    %dma_start3A_143 = arith.constant 0 : i32
    %dma_start3A_144 = arith.constant 0 : i32
    %dma_start3A_145 = tpu.memref_slice %arg3[%dma_start3A_143, %dma_start3A_144] : memref<100000x128xf32, #tpu.memory_space<hbm>> -> memref<100000x128xf32, #tpu.memory_space<hbm>>
    tpu.enqueue_indirect_dma source(%dma_start3A_145 : memref<100000x128xf32, #tpu.memory_space<hbm>>) target(%dma_start3A_139 : memref<50x128xf32, #tpu.memory_space<vmem>>) offsets(%dma_start3A_142 : memref<50xi32, #tpu.memory_space<vmem>>) semaphore(%arg19 : memref<!tpu.dma_semaphore, #tpu.memory_space<semaphore_mem>>)
    %dma_start3A_146 = arith.constant 12 : i32
    %dma_start3A_147 = arith.constant 0 : i32
    %dma_start3A_148 = arith.constant 0 : i32
    %dma_start3A_149 = arith.constant 0 : i32
    %dma_start3A_150 = tpu.memref_slice %arg12[%dma_start3A_147, %dma_start3A_148, %dma_start3A_149] : memref<2x50x128xf32, #tpu.memory_space<vmem>> -> memref<1x50x128xf32, #tpu.memory_space<vmem>>
    %dma_start3A_151 = tpu.memref_squeeze %dma_start3A_150 : memref<1x50x128xf32, #tpu.memory_space<vmem>> -> memref<50x128xf32, #tpu.memory_space<vmem>>
    %dma_start3A_152 = arith.constant 0 : i32
    %dma_start3A_153 = tpu.memref_slice %arg5[%dma_start3A_146, %dma_start3A_152] : memref<128x50xi32, #tpu.memory_space<vmem>> -> memref<1x50xi32, #tpu.memory_space<vmem>>
    %dma_start3A_154 = tpu.memref_squeeze %dma_start3A_153 : memref<1x50xi32, #tpu.memory_space<vmem>> -> memref<50xi32, #tpu.memory_space<vmem>>
    %dma_start3A_155 = arith.constant 0 : i32
    %dma_start3A_156 = arith.constant 0 : i32
    %dma_start3A_157 = tpu.memref_slice %arg3[%dma_start3A_155, %dma_start3A_156] : memref<100000x128xf32, #tpu.memory_space<hbm>> -> memref<100000x128xf32, #tpu.memory_space<hbm>>
    tpu.enqueue_indirect_dma source(%dma_start3A_157 : memref<100000x128xf32, #tpu.memory_space<hbm>>) target(%dma_start3A_151 : memref<50x128xf32, #tpu.memory_space<vmem>>) offsets(%dma_start3A_154 : memref<50xi32, #tpu.memory_space<vmem>>) semaphore(%arg20 : memref<!tpu.dma_semaphore, #tpu.memory_space<semaphore_mem>>)
    %dma_start3A_158 = arith.constant 13 : i32
    %dma_start3A_159 = arith.constant 1 : i32
    %dma_start3A_160 = arith.constant 0 : i32
    %dma_start3A_161 = arith.constant 0 : i32
    %dma_start3A_162 = tpu.memref_slice %arg12[%dma_start3A_159, %dma_start3A_160, %dma_start3A_161] : memref<2x50x128xf32, #tpu.memory_space<vmem>> -> memref<1x50x128xf32, #tpu.memory_space<vmem>>
    %dma_start3A_163 = tpu.memref_squeeze %dma_start3A_162 : memref<1x50x128xf32, #tpu.memory_space<vmem>> -> memref<50x128xf32, #tpu.memory_space<vmem>>
    %dma_start3A_164 = arith.constant 0 : i32
    %dma_start3A_165 = tpu.memref_slice %arg5[%dma_start3A_158, %dma_start3A_164] : memref<128x50xi32, #tpu.memory_space<vmem>> -> memref<1x50xi32, #tpu.memory_space<vmem>>
    %dma_start3A_166 = tpu.memref_squeeze %dma_start3A_165 : memref<1x50xi32, #tpu.memory_space<vmem>> -> memref<50xi32, #tpu.memory_space<vmem>>
    %dma_start3A_167 = arith.constant 0 : i32
    %dma_start3A_168 = arith.constant 0 : i32
    %dma_start3A_169 = tpu.memref_slice %arg3[%dma_start3A_167, %dma_start3A_168] : memref<100000x128xf32, #tpu.memory_space<hbm>> -> memref<100000x128xf32, #tpu.memory_space<hbm>>
    tpu.enqueue_indirect_dma source(%dma_start3A_169 : memref<100000x128xf32, #tpu.memory_space<hbm>>) target(%dma_start3A_163 : memref<50x128xf32, #tpu.memory_space<vmem>>) offsets(%dma_start3A_166 : memref<50xi32, #tpu.memory_space<vmem>>) semaphore(%arg20 : memref<!tpu.dma_semaphore, #tpu.memory_space<semaphore_mem>>)
    %dma_wait3A = arith.constant 0 : i32
    %dma_wait3A_170 = arith.constant 0 : i32
    %dma_wait3A_171 = arith.constant 0 : i32
    %dma_wait3A_172 = tpu.memref_slice %arg4[%dma_wait3A, %dma_wait3A_170, %dma_wait3A_171] : memref<4096x50x128xf32, #tpu.memory_space<hbm>> -> memref<2x50x128xf32, #tpu.memory_space<hbm>>
    %dma_wait3A_173 = arith.constant 0 : i32
    %dma_wait3A_174 = arith.constant 0 : i32
    %dma_wait3A_175 = arith.constant 0 : i32
    %dma_wait3A_176 = tpu.memref_slice %arg4[%dma_wait3A_173, %dma_wait3A_174, %dma_wait3A_175] : memref<4096x50x128xf32, #tpu.memory_space<hbm>> -> memref<2x50x128xf32, #tpu.memory_space<hbm>>
    tpu.wait_dma2 semaphore(%arg14 : memref<!tpu.dma_semaphore, #tpu.memory_space<semaphore_mem>>) src(%dma_wait3A_176 : memref<2x50x128xf32, #tpu.memory_space<hbm>>) dst(%arg6 : memref<2x50x128xf32, #tpu.memory_space<vmem>>)
    %add3A_177 = arith.constant 0 : i32
    %add3A_178 = arith.addi %mul3A_2, %add3A_177 : i32
    %dma_start3A_179 = arith.constant 0 : i32
    %dma_start3A_180 = arith.constant 0 : i32
    %dma_start3A_181 = tpu.memref_slice %arg4[%add3A_178, %dma_start3A_179, %dma_start3A_180] : memref<4096x50x128xf32, #tpu.memory_space<hbm>> -> memref<2x50x128xf32, #tpu.memory_space<hbm>>
    %dma_start3A_182 = arith.constant 0 : i32
    %dma_start3A_183 = arith.constant 0 : i32
    %dma_start3A_184 = tpu.memref_slice %arg4[%add3A_178, %dma_start3A_182, %dma_start3A_183] : memref<4096x50x128xf32, #tpu.memory_space<hbm>> -> memref<2x50x128xf32, #tpu.memory_space<hbm>>
    tpu.enqueue_dma source(%arg6 : memref<2x50x128xf32, #tpu.memory_space<vmem>>) target(%dma_start3A_184 : memref<2x50x128xf32, #tpu.memory_space<hbm>>) target_semaphore(%arg22 : memref<!tpu.dma_semaphore, #tpu.memory_space<semaphore_mem>>)
    %dma_start3A_185 = arith.constant 14 : i32
    %dma_start3A_186 = arith.constant 0 : i32
    %dma_start3A_187 = arith.constant 0 : i32
    %dma_start3A_188 = arith.constant 0 : i32
    %dma_start3A_189 = tpu.memref_slice %arg13[%dma_start3A_186, %dma_start3A_187, %dma_start3A_188] : memref<2x50x128xf32, #tpu.memory_space<vmem>> -> memref<1x50x128xf32, #tpu.memory_space<vmem>>
    %dma_start3A_190 = tpu.memref_squeeze %dma_start3A_189 : memref<1x50x128xf32, #tpu.memory_space<vmem>> -> memref<50x128xf32, #tpu.memory_space<vmem>>
    %dma_start3A_191 = arith.constant 0 : i32
    %dma_start3A_192 = tpu.memref_slice %arg5[%dma_start3A_185, %dma_start3A_191] : memref<128x50xi32, #tpu.memory_space<vmem>> -> memref<1x50xi32, #tpu.memory_space<vmem>>
    %dma_start3A_193 = tpu.memref_squeeze %dma_start3A_192 : memref<1x50xi32, #tpu.memory_space<vmem>> -> memref<50xi32, #tpu.memory_space<vmem>>
    %dma_start3A_194 = arith.constant 0 : i32
    %dma_start3A_195 = arith.constant 0 : i32
    %dma_start3A_196 = tpu.memref_slice %arg3[%dma_start3A_194, %dma_start3A_195] : memref<100000x128xf32, #tpu.memory_space<hbm>> -> memref<100000x128xf32, #tpu.memory_space<hbm>>
    tpu.enqueue_indirect_dma source(%dma_start3A_196 : memref<100000x128xf32, #tpu.memory_space<hbm>>) target(%dma_start3A_190 : memref<50x128xf32, #tpu.memory_space<vmem>>) offsets(%dma_start3A_193 : memref<50xi32, #tpu.memory_space<vmem>>) semaphore(%arg21 : memref<!tpu.dma_semaphore, #tpu.memory_space<semaphore_mem>>)
    %dma_start3A_197 = arith.constant 15 : i32
    %dma_start3A_198 = arith.constant 1 : i32
    %dma_start3A_199 = arith.constant 0 : i32
    %dma_start3A_200 = arith.constant 0 : i32
    %dma_start3A_201 = tpu.memref_slice %arg13[%dma_start3A_198, %dma_start3A_199, %dma_start3A_200] : memref<2x50x128xf32, #tpu.memory_space<vmem>> -> memref<1x50x128xf32, #tpu.memory_space<vmem>>
    %dma_start3A_202 = tpu.memref_squeeze %dma_start3A_201 : memref<1x50x128xf32, #tpu.memory_space<vmem>> -> memref<50x128xf32, #tpu.memory_space<vmem>>
    %dma_start3A_203 = arith.constant 0 : i32
    %dma_start3A_204 = tpu.memref_slice %arg5[%dma_start3A_197, %dma_start3A_203] : memref<128x50xi32, #tpu.memory_space<vmem>> -> memref<1x50xi32, #tpu.memory_space<vmem>>
    %dma_start3A_205 = tpu.memref_squeeze %dma_start3A_204 : memref<1x50xi32, #tpu.memory_space<vmem>> -> memref<50xi32, #tpu.memory_space<vmem>>
    %dma_start3A_206 = arith.constant 0 : i32
    %dma_start3A_207 = arith.constant 0 : i32
    %dma_start3A_208 = tpu.memref_slice %arg3[%dma_start3A_206, %dma_start3A_207] : memref<100000x128xf32, #tpu.memory_space<hbm>> -> memref<100000x128xf32, #tpu.memory_space<hbm>>
    tpu.enqueue_indirect_dma source(%dma_start3A_208 : memref<100000x128xf32, #tpu.memory_space<hbm>>) target(%dma_start3A_202 : memref<50x128xf32, #tpu.memory_space<vmem>>) offsets(%dma_start3A_205 : memref<50xi32, #tpu.memory_space<vmem>>) semaphore(%arg21 : memref<!tpu.dma_semaphore, #tpu.memory_space<semaphore_mem>>)
    %dma_wait3A_209 = arith.constant 0 : i32
    %dma_wait3A_210 = arith.constant 0 : i32
    %dma_wait3A_211 = arith.constant 0 : i32
    %dma_wait3A_212 = tpu.memref_slice %arg4[%dma_wait3A_209, %dma_wait3A_210, %dma_wait3A_211] : memref<4096x50x128xf32, #tpu.memory_space<hbm>> -> memref<2x50x128xf32, #tpu.memory_space<hbm>>
    %dma_wait3A_213 = arith.constant 0 : i32
    %dma_wait3A_214 = arith.constant 0 : i32
    %dma_wait3A_215 = arith.constant 0 : i32
    %dma_wait3A_216 = tpu.memref_slice %arg4[%dma_wait3A_213, %dma_wait3A_214, %dma_wait3A_215] : memref<4096x50x128xf32, #tpu.memory_space<hbm>> -> memref<2x50x128xf32, #tpu.memory_space<hbm>>
    tpu.wait_dma2 semaphore(%arg15 : memref<!tpu.dma_semaphore, #tpu.memory_space<semaphore_mem>>) src(%dma_wait3A_216 : memref<2x50x128xf32, #tpu.memory_space<hbm>>) dst(%arg7 : memref<2x50x128xf32, #tpu.memory_space<vmem>>)
    %add3A_217 = arith.constant 2 : i32
    %add3A_218 = arith.addi %mul3A_2, %add3A_217 : i32
    %dma_start3A_219 = arith.constant 0 : i32
    %dma_start3A_220 = arith.constant 0 : i32
    %dma_start3A_221 = tpu.memref_slice %arg4[%add3A_218, %dma_start3A_219, %dma_start3A_220] : memref<4096x50x128xf32, #tpu.memory_space<hbm>> -> memref<2x50x128xf32, #tpu.memory_space<hbm>>
    %dma_start3A_222 = arith.constant 0 : i32
    %dma_start3A_223 = arith.constant 0 : i32
    %dma_start3A_224 = tpu.memref_slice %arg4[%add3A_218, %dma_start3A_222, %dma_start3A_223] : memref<4096x50x128xf32, #tpu.memory_space<hbm>> -> memref<2x50x128xf32, #tpu.memory_space<hbm>>
    tpu.enqueue_dma source(%arg7 : memref<2x50x128xf32, #tpu.memory_space<vmem>>) target(%dma_start3A_224 : memref<2x50x128xf32, #tpu.memory_space<hbm>>) target_semaphore(%arg23 : memref<!tpu.dma_semaphore, #tpu.memory_space<semaphore_mem>>)
    %scan3A = arith.constant 0 : i32
    %scan3A_225 = arith.constant 0 : i32
    %scan3A_226 = arith.constant 7 : i32
    %scan3A_227 = arith.addi %scan3A_225, %scan3A_226 : i32
    %scan3A_228 = arith.constant 1 : i32
    scf.for %scan3A_390 = %scan3A_225 to %scan3A_227 step %scan3A_228  : i32 {
      %mul3A_391 = arith.constant 8 : i32
      %mul3A_392 = arith.muli %scan3A_390, %mul3A_391 : i32
      %add3A_393 = arith.constant 2 : i32
      %add3A_394 = arith.addi %add3A_393, %mul3A_392 : i32
      %add3A_395 = arith.constant 0 : i32
      %add3A_396 = arith.addi %add3A_394, %add3A_395 : i32
      %dma_wait3A_397 = arith.constant 0 : i32
      %dma_wait3A_398 = arith.constant 0 : i32
      %dma_wait3A_399 = arith.constant 0 : i32
      %dma_wait3A_400 = tpu.memref_slice %arg4[%dma_wait3A_397, %dma_wait3A_398, %dma_wait3A_399] : memref<4096x50x128xf32, #tpu.memory_space<hbm>> -> memref<2x50x128xf32, #tpu.memory_space<hbm>>
      %dma_wait3A_401 = arith.constant 0 : i32
      %dma_wait3A_402 = arith.constant 0 : i32
      %dma_wait3A_403 = arith.constant 0 : i32
      %dma_wait3A_404 = tpu.memref_slice %arg4[%dma_wait3A_401, %dma_wait3A_402, %dma_wait3A_403] : memref<4096x50x128xf32, #tpu.memory_space<hbm>> -> memref<2x50x128xf32, #tpu.memory_space<hbm>>
      tpu.wait_dma2 semaphore(%arg22 : memref<!tpu.dma_semaphore, #tpu.memory_space<semaphore_mem>>) src(%arg6 : memref<2x50x128xf32, #tpu.memory_space<vmem>>) dst(%dma_wait3A_404 : memref<2x50x128xf32, #tpu.memory_space<hbm>>)
      %add3A_405 = arith.constant 6 : i32
      %add3A_406 = arith.addi %add3A_396, %add3A_405 : i32
      %mul3A_407 = arith.constant 2 : i32
      %mul3A_408 = arith.muli %add3A_406, %mul3A_407 : i32
      %add3A_409 = arith.constant 0 : i32
      %add3A_410 = arith.addi %mul3A_408, %add3A_409 : i32
      %dma_start3A_411 = arith.constant 0 : i32
      %dma_start3A_412 = arith.constant 0 : i32
      %dma_start3A_413 = arith.constant 0 : i32
      %dma_start3A_414 = tpu.memref_slice %arg6[%dma_start3A_411, %dma_start3A_412, %dma_start3A_413] : memref<2x50x128xf32, #tpu.memory_space<vmem>> -> memref<1x50x128xf32, #tpu.memory_space<vmem>>
      %dma_start3A_415 = tpu.memref_squeeze %dma_start3A_414 : memref<1x50x128xf32, #tpu.memory_space<vmem>> -> memref<50x128xf32, #tpu.memory_space<vmem>>
      %dma_start3A_416 = arith.constant 0 : i32
      %dma_start3A_417 = tpu.memref_slice %arg5[%add3A_410, %dma_start3A_416] : memref<128x50xi32, #tpu.memory_space<vmem>> -> memref<1x50xi32, #tpu.memory_space<vmem>>
      %dma_start3A_418 = tpu.memref_squeeze %dma_start3A_417 : memref<1x50xi32, #tpu.memory_space<vmem>> -> memref<50xi32, #tpu.memory_space<vmem>>
      %dma_start3A_419 = arith.constant 0 : i32
      %dma_start3A_420 = arith.constant 0 : i32
      %dma_start3A_421 = tpu.memref_slice %arg3[%dma_start3A_419, %dma_start3A_420] : memref<100000x128xf32, #tpu.memory_space<hbm>> -> memref<100000x128xf32, #tpu.memory_space<hbm>>
      tpu.enqueue_indirect_dma source(%dma_start3A_421 : memref<100000x128xf32, #tpu.memory_space<hbm>>) target(%dma_start3A_415 : memref<50x128xf32, #tpu.memory_space<vmem>>) offsets(%dma_start3A_418 : memref<50xi32, #tpu.memory_space<vmem>>) semaphore(%arg14 : memref<!tpu.dma_semaphore, #tpu.memory_space<semaphore_mem>>)
      %mul3A_422 = arith.constant 2 : i32
      %mul3A_423 = arith.muli %add3A_406, %mul3A_422 : i32
      %add3A_424 = arith.constant 1 : i32
      %add3A_425 = arith.addi %mul3A_423, %add3A_424 : i32
      %dma_start3A_426 = arith.constant 1 : i32
      %dma_start3A_427 = arith.constant 0 : i32
      %dma_start3A_428 = arith.constant 0 : i32
      %dma_start3A_429 = tpu.memref_slice %arg6[%dma_start3A_426, %dma_start3A_427, %dma_start3A_428] : memref<2x50x128xf32, #tpu.memory_space<vmem>> -> memref<1x50x128xf32, #tpu.memory_space<vmem>>
      %dma_start3A_430 = tpu.memref_squeeze %dma_start3A_429 : memref<1x50x128xf32, #tpu.memory_space<vmem>> -> memref<50x128xf32, #tpu.memory_space<vmem>>
      %dma_start3A_431 = arith.constant 0 : i32
      %dma_start3A_432 = tpu.memref_slice %arg5[%add3A_425, %dma_start3A_431] : memref<128x50xi32, #tpu.memory_space<vmem>> -> memref<1x50xi32, #tpu.memory_space<vmem>>
      %dma_start3A_433 = tpu.memref_squeeze %dma_start3A_432 : memref<1x50xi32, #tpu.memory_space<vmem>> -> memref<50xi32, #tpu.memory_space<vmem>>
      %dma_start3A_434 = arith.constant 0 : i32
      %dma_start3A_435 = arith.constant 0 : i32
      %dma_start3A_436 = tpu.memref_slice %arg3[%dma_start3A_434, %dma_start3A_435] : memref<100000x128xf32, #tpu.memory_space<hbm>> -> memref<100000x128xf32, #tpu.memory_space<hbm>>
      tpu.enqueue_indirect_dma source(%dma_start3A_436 : memref<100000x128xf32, #tpu.memory_space<hbm>>) target(%dma_start3A_430 : memref<50x128xf32, #tpu.memory_space<vmem>>) offsets(%dma_start3A_433 : memref<50xi32, #tpu.memory_space<vmem>>) semaphore(%arg14 : memref<!tpu.dma_semaphore, #tpu.memory_space<semaphore_mem>>)
      %dma_wait3A_437 = arith.constant 0 : i32
      %dma_wait3A_438 = arith.constant 0 : i32
      %dma_wait3A_439 = arith.constant 0 : i32
      %dma_wait3A_440 = tpu.memref_slice %arg4[%dma_wait3A_437, %dma_wait3A_438, %dma_wait3A_439] : memref<4096x50x128xf32, #tpu.memory_space<hbm>> -> memref<2x50x128xf32, #tpu.memory_space<hbm>>
      %dma_wait3A_441 = arith.constant 0 : i32
      %dma_wait3A_442 = arith.constant 0 : i32
      %dma_wait3A_443 = arith.constant 0 : i32
      %dma_wait3A_444 = tpu.memref_slice %arg4[%dma_wait3A_441, %dma_wait3A_442, %dma_wait3A_443] : memref<4096x50x128xf32, #tpu.memory_space<hbm>> -> memref<2x50x128xf32, #tpu.memory_space<hbm>>
      tpu.wait_dma2 semaphore(%arg16 : memref<!tpu.dma_semaphore, #tpu.memory_space<semaphore_mem>>) src(%dma_wait3A_444 : memref<2x50x128xf32, #tpu.memory_space<hbm>>) dst(%arg8 : memref<2x50x128xf32, #tpu.memory_space<vmem>>)
      %mul3A_445 = arith.constant 2 : i32
      %mul3A_446 = arith.muli %add3A_396, %mul3A_445 : i32
      %add3A_447 = arith.addi %mul3A_2, %mul3A_446 : i32
      %dma_start3A_448 = arith.constant 0 : i32
      %dma_start3A_449 = arith.constant 0 : i32
      %dma_start3A_450 = tpu.memref_slice %arg4[%add3A_447, %dma_start3A_448, %dma_start3A_449] : memref<4096x50x128xf32, #tpu.memory_space<hbm>> -> memref<2x50x128xf32, #tpu.memory_space<hbm>>
      %dma_start3A_451 = arith.constant 0 : i32
      %dma_start3A_452 = arith.constant 0 : i32
      %dma_start3A_453 = tpu.memref_slice %arg4[%add3A_447, %dma_start3A_451, %dma_start3A_452] : memref<4096x50x128xf32, #tpu.memory_space<hbm>> -> memref<2x50x128xf32, #tpu.memory_space<hbm>>
      tpu.enqueue_dma source(%arg8 : memref<2x50x128xf32, #tpu.memory_space<vmem>>) target(%dma_start3A_453 : memref<2x50x128xf32, #tpu.memory_space<hbm>>) target_semaphore(%arg24 : memref<!tpu.dma_semaphore, #tpu.memory_space<semaphore_mem>>)
      %mul3A_454 = arith.constant 8 : i32
      %mul3A_455 = arith.muli %scan3A_390, %mul3A_454 : i32
      %add3A_456 = arith.constant 2 : i32
      %add3A_457 = arith.addi %add3A_456, %mul3A_455 : i32
      %add3A_458 = arith.constant 1 : i32
      %add3A_459 = arith.addi %add3A_457, %add3A_458 : i32
      %dma_wait3A_460 = arith.constant 0 : i32
      %dma_wait3A_461 = arith.constant 0 : i32
      %dma_wait3A_462 = arith.constant 0 : i32
      %dma_wait3A_463 = tpu.memref_slice %arg4[%dma_wait3A_460, %dma_wait3A_461, %dma_wait3A_462] : memref<4096x50x128xf32, #tpu.memory_space<hbm>> -> memref<2x50x128xf32, #tpu.memory_space<hbm>>
      %dma_wait3A_464 = arith.constant 0 : i32
      %dma_wait3A_465 = arith.constant 0 : i32
      %dma_wait3A_466 = arith.constant 0 : i32
      %dma_wait3A_467 = tpu.memref_slice %arg4[%dma_wait3A_464, %dma_wait3A_465, %dma_wait3A_466] : memref<4096x50x128xf32, #tpu.memory_space<hbm>> -> memref<2x50x128xf32, #tpu.memory_space<hbm>>
      tpu.wait_dma2 semaphore(%arg23 : memref<!tpu.dma_semaphore, #tpu.memory_space<semaphore_mem>>) src(%arg7 : memref<2x50x128xf32, #tpu.memory_space<vmem>>) dst(%dma_wait3A_467 : memref<2x50x128xf32, #tpu.memory_space<hbm>>)
      %add3A_468 = arith.constant 6 : i32
      %add3A_469 = arith.addi %add3A_459, %add3A_468 : i32
      %mul3A_470 = arith.constant 2 : i32
      %mul3A_471 = arith.muli %add3A_469, %mul3A_470 : i32
      %add3A_472 = arith.constant 0 : i32
      %add3A_473 = arith.addi %mul3A_471, %add3A_472 : i32
      %dma_start3A_474 = arith.constant 0 : i32
      %dma_start3A_475 = arith.constant 0 : i32
      %dma_start3A_476 = arith.constant 0 : i32
      %dma_start3A_477 = tpu.memref_slice %arg7[%dma_start3A_474, %dma_start3A_475, %dma_start3A_476] : memref<2x50x128xf32, #tpu.memory_space<vmem>> -> memref<1x50x128xf32, #tpu.memory_space<vmem>>
      %dma_start3A_478 = tpu.memref_squeeze %dma_start3A_477 : memref<1x50x128xf32, #tpu.memory_space<vmem>> -> memref<50x128xf32, #tpu.memory_space<vmem>>
      %dma_start3A_479 = arith.constant 0 : i32
      %dma_start3A_480 = tpu.memref_slice %arg5[%add3A_473, %dma_start3A_479] : memref<128x50xi32, #tpu.memory_space<vmem>> -> memref<1x50xi32, #tpu.memory_space<vmem>>
      %dma_start3A_481 = tpu.memref_squeeze %dma_start3A_480 : memref<1x50xi32, #tpu.memory_space<vmem>> -> memref<50xi32, #tpu.memory_space<vmem>>
      %dma_start3A_482 = arith.constant 0 : i32
      %dma_start3A_483 = arith.constant 0 : i32
      %dma_start3A_484 = tpu.memref_slice %arg3[%dma_start3A_482, %dma_start3A_483] : memref<100000x128xf32, #tpu.memory_space<hbm>> -> memref<100000x128xf32, #tpu.memory_space<hbm>>
      tpu.enqueue_indirect_dma source(%dma_start3A_484 : memref<100000x128xf32, #tpu.memory_space<hbm>>) target(%dma_start3A_478 : memref<50x128xf32, #tpu.memory_space<vmem>>) offsets(%dma_start3A_481 : memref<50xi32, #tpu.memory_space<vmem>>) semaphore(%arg15 : memref<!tpu.dma_semaphore, #tpu.memory_space<semaphore_mem>>)
      %mul3A_485 = arith.constant 2 : i32
      %mul3A_486 = arith.muli %add3A_469, %mul3A_485 : i32
      %add3A_487 = arith.constant 1 : i32
      %add3A_488 = arith.addi %mul3A_486, %add3A_487 : i32
      %dma_start3A_489 = arith.constant 1 : i32
      %dma_start3A_490 = arith.constant 0 : i32
      %dma_start3A_491 = arith.constant 0 : i32
      %dma_start3A_492 = tpu.memref_slice %arg7[%dma_start3A_489, %dma_start3A_490, %dma_start3A_491] : memref<2x50x128xf32, #tpu.memory_space<vmem>> -> memref<1x50x128xf32, #tpu.memory_space<vmem>>
      %dma_start3A_493 = tpu.memref_squeeze %dma_start3A_492 : memref<1x50x128xf32, #tpu.memory_space<vmem>> -> memref<50x128xf32, #tpu.memory_space<vmem>>
      %dma_start3A_494 = arith.constant 0 : i32
      %dma_start3A_495 = tpu.memref_slice %arg5[%add3A_488, %dma_start3A_494] : memref<128x50xi32, #tpu.memory_space<vmem>> -> memref<1x50xi32, #tpu.memory_space<vmem>>
      %dma_start3A_496 = tpu.memref_squeeze %dma_start3A_495 : memref<1x50xi32, #tpu.memory_space<vmem>> -> memref<50xi32, #tpu.memory_space<vmem>>
      %dma_start3A_497 = arith.constant 0 : i32
      %dma_start3A_498 = arith.constant 0 : i32
      %dma_start3A_499 = tpu.memref_slice %arg3[%dma_start3A_497, %dma_start3A_498] : memref<100000x128xf32, #tpu.memory_space<hbm>> -> memref<100000x128xf32, #tpu.memory_space<hbm>>
      tpu.enqueue_indirect_dma source(%dma_start3A_499 : memref<100000x128xf32, #tpu.memory_space<hbm>>) target(%dma_start3A_493 : memref<50x128xf32, #tpu.memory_space<vmem>>) offsets(%dma_start3A_496 : memref<50xi32, #tpu.memory_space<vmem>>) semaphore(%arg15 : memref<!tpu.dma_semaphore, #tpu.memory_space<semaphore_mem>>)
      %dma_wait3A_500 = arith.constant 0 : i32
      %dma_wait3A_501 = arith.constant 0 : i32
      %dma_wait3A_502 = arith.constant 0 : i32
      %dma_wait3A_503 = tpu.memref_slice %arg4[%dma_wait3A_500, %dma_wait3A_501, %dma_wait3A_502] : memref<4096x50x128xf32, #tpu.memory_space<hbm>> -> memref<2x50x128xf32, #tpu.memory_space<hbm>>
      %dma_wait3A_504 = arith.constant 0 : i32
      %dma_wait3A_505 = arith.constant 0 : i32
      %dma_wait3A_506 = arith.constant 0 : i32
      %dma_wait3A_507 = tpu.memref_slice %arg4[%dma_wait3A_504, %dma_wait3A_505, %dma_wait3A_506] : memref<4096x50x128xf32, #tpu.memory_space<hbm>> -> memref<2x50x128xf32, #tpu.memory_space<hbm>>
      tpu.wait_dma2 semaphore(%arg17 : memref<!tpu.dma_semaphore, #tpu.memory_space<semaphore_mem>>) src(%dma_wait3A_507 : memref<2x50x128xf32, #tpu.memory_space<hbm>>) dst(%arg9 : memref<2x50x128xf32, #tpu.memory_space<vmem>>)
      %mul3A_508 = arith.constant 2 : i32
      %mul3A_509 = arith.muli %add3A_459, %mul3A_508 : i32
      %add3A_510 = arith.addi %mul3A_2, %mul3A_509 : i32
      %dma_start3A_511 = arith.constant 0 : i32
      %dma_start3A_512 = arith.constant 0 : i32
      %dma_start3A_513 = tpu.memref_slice %arg4[%add3A_510, %dma_start3A_511, %dma_start3A_512] : memref<4096x50x128xf32, #tpu.memory_space<hbm>> -> memref<2x50x128xf32, #tpu.memory_space<hbm>>
      %dma_start3A_514 = arith.constant 0 : i32
      %dma_start3A_515 = arith.constant 0 : i32
      %dma_start3A_516 = tpu.memref_slice %arg4[%add3A_510, %dma_start3A_514, %dma_start3A_515] : memref<4096x50x128xf32, #tpu.memory_space<hbm>> -> memref<2x50x128xf32, #tpu.memory_space<hbm>>
      tpu.enqueue_dma source(%arg9 : memref<2x50x128xf32, #tpu.memory_space<vmem>>) target(%dma_start3A_516 : memref<2x50x128xf32, #tpu.memory_space<hbm>>) target_semaphore(%arg25 : memref<!tpu.dma_semaphore, #tpu.memory_space<semaphore_mem>>)
      %mul3A_517 = arith.constant 8 : i32
      %mul3A_518 = arith.muli %scan3A_390, %mul3A_517 : i32
      %add3A_519 = arith.constant 2 : i32
      %add3A_520 = arith.addi %add3A_519, %mul3A_518 : i32
      %add3A_521 = arith.constant 2 : i32
      %add3A_522 = arith.addi %add3A_520, %add3A_521 : i32
      %dma_wait3A_523 = arith.constant 0 : i32
      %dma_wait3A_524 = arith.constant 0 : i32
      %dma_wait3A_525 = arith.constant 0 : i32
      %dma_wait3A_526 = tpu.memref_slice %arg4[%dma_wait3A_523, %dma_wait3A_524, %dma_wait3A_525] : memref<4096x50x128xf32, #tpu.memory_space<hbm>> -> memref<2x50x128xf32, #tpu.memory_space<hbm>>
      %dma_wait3A_527 = arith.constant 0 : i32
      %dma_wait3A_528 = arith.constant 0 : i32
      %dma_wait3A_529 = arith.constant 0 : i32
      %dma_wait3A_530 = tpu.memref_slice %arg4[%dma_wait3A_527, %dma_wait3A_528, %dma_wait3A_529] : memref<4096x50x128xf32, #tpu.memory_space<hbm>> -> memref<2x50x128xf32, #tpu.memory_space<hbm>>
      tpu.wait_dma2 semaphore(%arg24 : memref<!tpu.dma_semaphore, #tpu.memory_space<semaphore_mem>>) src(%arg8 : memref<2x50x128xf32, #tpu.memory_space<vmem>>) dst(%dma_wait3A_530 : memref<2x50x128xf32, #tpu.memory_space<hbm>>)
      %add3A_531 = arith.constant 6 : i32
      %add3A_532 = arith.addi %add3A_522, %add3A_531 : i32
      %mul3A_533 = arith.constant 2 : i32
      %mul3A_534 = arith.muli %add3A_532, %mul3A_533 : i32
      %add3A_535 = arith.constant 0 : i32
      %add3A_536 = arith.addi %mul3A_534, %add3A_535 : i32
      %dma_start3A_537 = arith.constant 0 : i32
      %dma_start3A_538 = arith.constant 0 : i32
      %dma_start3A_539 = arith.constant 0 : i32
      %dma_start3A_540 = tpu.memref_slice %arg8[%dma_start3A_537, %dma_start3A_538, %dma_start3A_539] : memref<2x50x128xf32, #tpu.memory_space<vmem>> -> memref<1x50x128xf32, #tpu.memory_space<vmem>>
      %dma_start3A_541 = tpu.memref_squeeze %dma_start3A_540 : memref<1x50x128xf32, #tpu.memory_space<vmem>> -> memref<50x128xf32, #tpu.memory_space<vmem>>
      %dma_start3A_542 = arith.constant 0 : i32
      %dma_start3A_543 = tpu.memref_slice %arg5[%add3A_536, %dma_start3A_542] : memref<128x50xi32, #tpu.memory_space<vmem>> -> memref<1x50xi32, #tpu.memory_space<vmem>>
      %dma_start3A_544 = tpu.memref_squeeze %dma_start3A_543 : memref<1x50xi32, #tpu.memory_space<vmem>> -> memref<50xi32, #tpu.memory_space<vmem>>
      %dma_start3A_545 = arith.constant 0 : i32
      %dma_start3A_546 = arith.constant 0 : i32
      %dma_start3A_547 = tpu.memref_slice %arg3[%dma_start3A_545, %dma_start3A_546] : memref<100000x128xf32, #tpu.memory_space<hbm>> -> memref<100000x128xf32, #tpu.memory_space<hbm>>
      tpu.enqueue_indirect_dma source(%dma_start3A_547 : memref<100000x128xf32, #tpu.memory_space<hbm>>) target(%dma_start3A_541 : memref<50x128xf32, #tpu.memory_space<vmem>>) offsets(%dma_start3A_544 : memref<50xi32, #tpu.memory_space<vmem>>) semaphore(%arg16 : memref<!tpu.dma_semaphore, #tpu.memory_space<semaphore_mem>>)
      %mul3A_548 = arith.constant 2 : i32
      %mul3A_549 = arith.muli %add3A_532, %mul3A_548 : i32
      %add3A_550 = arith.constant 1 : i32
      %add3A_551 = arith.addi %mul3A_549, %add3A_550 : i32
      %dma_start3A_552 = arith.constant 1 : i32
      %dma_start3A_553 = arith.constant 0 : i32
      %dma_start3A_554 = arith.constant 0 : i32
      %dma_start3A_555 = tpu.memref_slice %arg8[%dma_start3A_552, %dma_start3A_553, %dma_start3A_554] : memref<2x50x128xf32, #tpu.memory_space<vmem>> -> memref<1x50x128xf32, #tpu.memory_space<vmem>>
      %dma_start3A_556 = tpu.memref_squeeze %dma_start3A_555 : memref<1x50x128xf32, #tpu.memory_space<vmem>> -> memref<50x128xf32, #tpu.memory_space<vmem>>
      %dma_start3A_557 = arith.constant 0 : i32
      %dma_start3A_558 = tpu.memref_slice %arg5[%add3A_551, %dma_start3A_557] : memref<128x50xi32, #tpu.memory_space<vmem>> -> memref<1x50xi32, #tpu.memory_space<vmem>>
      %dma_start3A_559 = tpu.memref_squeeze %dma_start3A_558 : memref<1x50xi32, #tpu.memory_space<vmem>> -> memref<50xi32, #tpu.memory_space<vmem>>
      %dma_start3A_560 = arith.constant 0 : i32
      %dma_start3A_561 = arith.constant 0 : i32
      %dma_start3A_562 = tpu.memref_slice %arg3[%dma_start3A_560, %dma_start3A_561] : memref<100000x128xf32, #tpu.memory_space<hbm>> -> memref<100000x128xf32, #tpu.memory_space<hbm>>
      tpu.enqueue_indirect_dma source(%dma_start3A_562 : memref<100000x128xf32, #tpu.memory_space<hbm>>) target(%dma_start3A_556 : memref<50x128xf32, #tpu.memory_space<vmem>>) offsets(%dma_start3A_559 : memref<50xi32, #tpu.memory_space<vmem>>) semaphore(%arg16 : memref<!tpu.dma_semaphore, #tpu.memory_space<semaphore_mem>>)
      %dma_wait3A_563 = arith.constant 0 : i32
      %dma_wait3A_564 = arith.constant 0 : i32
      %dma_wait3A_565 = arith.constant 0 : i32
      %dma_wait3A_566 = tpu.memref_slice %arg4[%dma_wait3A_563, %dma_wait3A_564, %dma_wait3A_565] : memref<4096x50x128xf32, #tpu.memory_space<hbm>> -> memref<2x50x128xf32, #tpu.memory_space<hbm>>
      %dma_wait3A_567 = arith.constant 0 : i32
      %dma_wait3A_568 = arith.constant 0 : i32
      %dma_wait3A_569 = arith.constant 0 : i32
      %dma_wait3A_570 = tpu.memref_slice %arg4[%dma_wait3A_567, %dma_wait3A_568, %dma_wait3A_569] : memref<4096x50x128xf32, #tpu.memory_space<hbm>> -> memref<2x50x128xf32, #tpu.memory_space<hbm>>
      tpu.wait_dma2 semaphore(%arg18 : memref<!tpu.dma_semaphore, #tpu.memory_space<semaphore_mem>>) src(%dma_wait3A_570 : memref<2x50x128xf32, #tpu.memory_space<hbm>>) dst(%arg10 : memref<2x50x128xf32, #tpu.memory_space<vmem>>)
      %mul3A_571 = arith.constant 2 : i32
      %mul3A_572 = arith.muli %add3A_522, %mul3A_571 : i32
      %add3A_573 = arith.addi %mul3A_2, %mul3A_572 : i32
      %dma_start3A_574 = arith.constant 0 : i32
      %dma_start3A_575 = arith.constant 0 : i32
      %dma_start3A_576 = tpu.memref_slice %arg4[%add3A_573, %dma_start3A_574, %dma_start3A_575] : memref<4096x50x128xf32, #tpu.memory_space<hbm>> -> memref<2x50x128xf32, #tpu.memory_space<hbm>>
      %dma_start3A_577 = arith.constant 0 : i32
      %dma_start3A_578 = arith.constant 0 : i32
      %dma_start3A_579 = tpu.memref_slice %arg4[%add3A_573, %dma_start3A_577, %dma_start3A_578] : memref<4096x50x128xf32, #tpu.memory_space<hbm>> -> memref<2x50x128xf32, #tpu.memory_space<hbm>>
      tpu.enqueue_dma source(%arg10 : memref<2x50x128xf32, #tpu.memory_space<vmem>>) target(%dma_start3A_579 : memref<2x50x128xf32, #tpu.memory_space<hbm>>) target_semaphore(%arg26 : memref<!tpu.dma_semaphore, #tpu.memory_space<semaphore_mem>>)
      %mul3A_580 = arith.constant 8 : i32
      %mul3A_581 = arith.muli %scan3A_390, %mul3A_580 : i32
      %add3A_582 = arith.constant 2 : i32
      %add3A_583 = arith.addi %add3A_582, %mul3A_581 : i32
      %add3A_584 = arith.constant 3 : i32
      %add3A_585 = arith.addi %add3A_583, %add3A_584 : i32
      %dma_wait3A_586 = arith.constant 0 : i32
      %dma_wait3A_587 = arith.constant 0 : i32
      %dma_wait3A_588 = arith.constant 0 : i32
      %dma_wait3A_589 = tpu.memref_slice %arg4[%dma_wait3A_586, %dma_wait3A_587, %dma_wait3A_588] : memref<4096x50x128xf32, #tpu.memory_space<hbm>> -> memref<2x50x128xf32, #tpu.memory_space<hbm>>
      %dma_wait3A_590 = arith.constant 0 : i32
      %dma_wait3A_591 = arith.constant 0 : i32
      %dma_wait3A_592 = arith.constant 0 : i32
      %dma_wait3A_593 = tpu.memref_slice %arg4[%dma_wait3A_590, %dma_wait3A_591, %dma_wait3A_592] : memref<4096x50x128xf32, #tpu.memory_space<hbm>> -> memref<2x50x128xf32, #tpu.memory_space<hbm>>
      tpu.wait_dma2 semaphore(%arg25 : memref<!tpu.dma_semaphore, #tpu.memory_space<semaphore_mem>>) src(%arg9 : memref<2x50x128xf32, #tpu.memory_space<vmem>>) dst(%dma_wait3A_593 : memref<2x50x128xf32, #tpu.memory_space<hbm>>)
      %add3A_594 = arith.constant 6 : i32
      %add3A_595 = arith.addi %add3A_585, %add3A_594 : i32
      %mul3A_596 = arith.constant 2 : i32
      %mul3A_597 = arith.muli %add3A_595, %mul3A_596 : i32
      %add3A_598 = arith.constant 0 : i32
      %add3A_599 = arith.addi %mul3A_597, %add3A_598 : i32
      %dma_start3A_600 = arith.constant 0 : i32
      %dma_start3A_601 = arith.constant 0 : i32
      %dma_start3A_602 = arith.constant 0 : i32
      %dma_start3A_603 = tpu.memref_slice %arg9[%dma_start3A_600, %dma_start3A_601, %dma_start3A_602] : memref<2x50x128xf32, #tpu.memory_space<vmem>> -> memref<1x50x128xf32, #tpu.memory_space<vmem>>
      %dma_start3A_604 = tpu.memref_squeeze %dma_start3A_603 : memref<1x50x128xf32, #tpu.memory_space<vmem>> -> memref<50x128xf32, #tpu.memory_space<vmem>>
      %dma_start3A_605 = arith.constant 0 : i32
      %dma_start3A_606 = tpu.memref_slice %arg5[%add3A_599, %dma_start3A_605] : memref<128x50xi32, #tpu.memory_space<vmem>> -> memref<1x50xi32, #tpu.memory_space<vmem>>
      %dma_start3A_607 = tpu.memref_squeeze %dma_start3A_606 : memref<1x50xi32, #tpu.memory_space<vmem>> -> memref<50xi32, #tpu.memory_space<vmem>>
      %dma_start3A_608 = arith.constant 0 : i32
      %dma_start3A_609 = arith.constant 0 : i32
      %dma_start3A_610 = tpu.memref_slice %arg3[%dma_start3A_608, %dma_start3A_609] : memref<100000x128xf32, #tpu.memory_space<hbm>> -> memref<100000x128xf32, #tpu.memory_space<hbm>>
      tpu.enqueue_indirect_dma source(%dma_start3A_610 : memref<100000x128xf32, #tpu.memory_space<hbm>>) target(%dma_start3A_604 : memref<50x128xf32, #tpu.memory_space<vmem>>) offsets(%dma_start3A_607 : memref<50xi32, #tpu.memory_space<vmem>>) semaphore(%arg17 : memref<!tpu.dma_semaphore, #tpu.memory_space<semaphore_mem>>)
      %mul3A_611 = arith.constant 2 : i32
      %mul3A_612 = arith.muli %add3A_595, %mul3A_611 : i32
      %add3A_613 = arith.constant 1 : i32
      %add3A_614 = arith.addi %mul3A_612, %add3A_613 : i32
      %dma_start3A_615 = arith.constant 1 : i32
      %dma_start3A_616 = arith.constant 0 : i32
      %dma_start3A_617 = arith.constant 0 : i32
      %dma_start3A_618 = tpu.memref_slice %arg9[%dma_start3A_615, %dma_start3A_616, %dma_start3A_617] : memref<2x50x128xf32, #tpu.memory_space<vmem>> -> memref<1x50x128xf32, #tpu.memory_space<vmem>>
      %dma_start3A_619 = tpu.memref_squeeze %dma_start3A_618 : memref<1x50x128xf32, #tpu.memory_space<vmem>> -> memref<50x128xf32, #tpu.memory_space<vmem>>
      %dma_start3A_620 = arith.constant 0 : i32
      %dma_start3A_621 = tpu.memref_slice %arg5[%add3A_614, %dma_start3A_620] : memref<128x50xi32, #tpu.memory_space<vmem>> -> memref<1x50xi32, #tpu.memory_space<vmem>>
      %dma_start3A_622 = tpu.memref_squeeze %dma_start3A_621 : memref<1x50xi32, #tpu.memory_space<vmem>> -> memref<50xi32, #tpu.memory_space<vmem>>
      %dma_start3A_623 = arith.constant 0 : i32
      %dma_start3A_624 = arith.constant 0 : i32
      %dma_start3A_625 = tpu.memref_slice %arg3[%dma_start3A_623, %dma_start3A_624] : memref<100000x128xf32, #tpu.memory_space<hbm>> -> memref<100000x128xf32, #tpu.memory_space<hbm>>
      tpu.enqueue_indirect_dma source(%dma_start3A_625 : memref<100000x128xf32, #tpu.memory_space<hbm>>) target(%dma_start3A_619 : memref<50x128xf32, #tpu.memory_space<vmem>>) offsets(%dma_start3A_622 : memref<50xi32, #tpu.memory_space<vmem>>) semaphore(%arg17 : memref<!tpu.dma_semaphore, #tpu.memory_space<semaphore_mem>>)
      %dma_wait3A_626 = arith.constant 0 : i32
      %dma_wait3A_627 = arith.constant 0 : i32
      %dma_wait3A_628 = arith.constant 0 : i32
      %dma_wait3A_629 = tpu.memref_slice %arg4[%dma_wait3A_626, %dma_wait3A_627, %dma_wait3A_628] : memref<4096x50x128xf32, #tpu.memory_space<hbm>> -> memref<2x50x128xf32, #tpu.memory_space<hbm>>
      %dma_wait3A_630 = arith.constant 0 : i32
      %dma_wait3A_631 = arith.constant 0 : i32
      %dma_wait3A_632 = arith.constant 0 : i32
      %dma_wait3A_633 = tpu.memref_slice %arg4[%dma_wait3A_630, %dma_wait3A_631, %dma_wait3A_632] : memref<4096x50x128xf32, #tpu.memory_space<hbm>> -> memref<2x50x128xf32, #tpu.memory_space<hbm>>
      tpu.wait_dma2 semaphore(%arg19 : memref<!tpu.dma_semaphore, #tpu.memory_space<semaphore_mem>>) src(%dma_wait3A_633 : memref<2x50x128xf32, #tpu.memory_space<hbm>>) dst(%arg11 : memref<2x50x128xf32, #tpu.memory_space<vmem>>)
      %mul3A_634 = arith.constant 2 : i32
      %mul3A_635 = arith.muli %add3A_585, %mul3A_634 : i32
      %add3A_636 = arith.addi %mul3A_2, %mul3A_635 : i32
      %dma_start3A_637 = arith.constant 0 : i32
      %dma_start3A_638 = arith.constant 0 : i32
      %dma_start3A_639 = tpu.memref_slice %arg4[%add3A_636, %dma_start3A_637, %dma_start3A_638] : memref<4096x50x128xf32, #tpu.memory_space<hbm>> -> memref<2x50x128xf32, #tpu.memory_space<hbm>>
      %dma_start3A_640 = arith.constant 0 : i32
      %dma_start3A_641 = arith.constant 0 : i32
      %dma_start3A_642 = tpu.memref_slice %arg4[%add3A_636, %dma_start3A_640, %dma_start3A_641] : memref<4096x50x128xf32, #tpu.memory_space<hbm>> -> memref<2x50x128xf32, #tpu.memory_space<hbm>>
      tpu.enqueue_dma source(%arg11 : memref<2x50x128xf32, #tpu.memory_space<vmem>>) target(%dma_start3A_642 : memref<2x50x128xf32, #tpu.memory_space<hbm>>) target_semaphore(%arg27 : memref<!tpu.dma_semaphore, #tpu.memory_space<semaphore_mem>>)
      %mul3A_643 = arith.constant 8 : i32
      %mul3A_644 = arith.muli %scan3A_390, %mul3A_643 : i32
      %add3A_645 = arith.constant 2 : i32
      %add3A_646 = arith.addi %add3A_645, %mul3A_644 : i32
      %add3A_647 = arith.constant 4 : i32
      %add3A_648 = arith.addi %add3A_646, %add3A_647 : i32
      %dma_wait3A_649 = arith.constant 0 : i32
      %dma_wait3A_650 = arith.constant 0 : i32
      %dma_wait3A_651 = arith.constant 0 : i32
      %dma_wait3A_652 = tpu.memref_slice %arg4[%dma_wait3A_649, %dma_wait3A_650, %dma_wait3A_651] : memref<4096x50x128xf32, #tpu.memory_space<hbm>> -> memref<2x50x128xf32, #tpu.memory_space<hbm>>
      %dma_wait3A_653 = arith.constant 0 : i32
      %dma_wait3A_654 = arith.constant 0 : i32
      %dma_wait3A_655 = arith.constant 0 : i32
      %dma_wait3A_656 = tpu.memref_slice %arg4[%dma_wait3A_653, %dma_wait3A_654, %dma_wait3A_655] : memref<4096x50x128xf32, #tpu.memory_space<hbm>> -> memref<2x50x128xf32, #tpu.memory_space<hbm>>
      tpu.wait_dma2 semaphore(%arg26 : memref<!tpu.dma_semaphore, #tpu.memory_space<semaphore_mem>>) src(%arg10 : memref<2x50x128xf32, #tpu.memory_space<vmem>>) dst(%dma_wait3A_656 : memref<2x50x128xf32, #tpu.memory_space<hbm>>)
      %add3A_657 = arith.constant 6 : i32
      %add3A_658 = arith.addi %add3A_648, %add3A_657 : i32
      %mul3A_659 = arith.constant 2 : i32
      %mul3A_660 = arith.muli %add3A_658, %mul3A_659 : i32
      %add3A_661 = arith.constant 0 : i32
      %add3A_662 = arith.addi %mul3A_660, %add3A_661 : i32
      %dma_start3A_663 = arith.constant 0 : i32
      %dma_start3A_664 = arith.constant 0 : i32
      %dma_start3A_665 = arith.constant 0 : i32
      %dma_start3A_666 = tpu.memref_slice %arg10[%dma_start3A_663, %dma_start3A_664, %dma_start3A_665] : memref<2x50x128xf32, #tpu.memory_space<vmem>> -> memref<1x50x128xf32, #tpu.memory_space<vmem>>
      %dma_start3A_667 = tpu.memref_squeeze %dma_start3A_666 : memref<1x50x128xf32, #tpu.memory_space<vmem>> -> memref<50x128xf32, #tpu.memory_space<vmem>>
      %dma_start3A_668 = arith.constant 0 : i32
      %dma_start3A_669 = tpu.memref_slice %arg5[%add3A_662, %dma_start3A_668] : memref<128x50xi32, #tpu.memory_space<vmem>> -> memref<1x50xi32, #tpu.memory_space<vmem>>
      %dma_start3A_670 = tpu.memref_squeeze %dma_start3A_669 : memref<1x50xi32, #tpu.memory_space<vmem>> -> memref<50xi32, #tpu.memory_space<vmem>>
      %dma_start3A_671 = arith.constant 0 : i32
      %dma_start3A_672 = arith.constant 0 : i32
      %dma_start3A_673 = tpu.memref_slice %arg3[%dma_start3A_671, %dma_start3A_672] : memref<100000x128xf32, #tpu.memory_space<hbm>> -> memref<100000x128xf32, #tpu.memory_space<hbm>>
      tpu.enqueue_indirect_dma source(%dma_start3A_673 : memref<100000x128xf32, #tpu.memory_space<hbm>>) target(%dma_start3A_667 : memref<50x128xf32, #tpu.memory_space<vmem>>) offsets(%dma_start3A_670 : memref<50xi32, #tpu.memory_space<vmem>>) semaphore(%arg18 : memref<!tpu.dma_semaphore, #tpu.memory_space<semaphore_mem>>)
      %mul3A_674 = arith.constant 2 : i32
      %mul3A_675 = arith.muli %add3A_658, %mul3A_674 : i32
      %add3A_676 = arith.constant 1 : i32
      %add3A_677 = arith.addi %mul3A_675, %add3A_676 : i32
      %dma_start3A_678 = arith.constant 1 : i32
      %dma_start3A_679 = arith.constant 0 : i32
      %dma_start3A_680 = arith.constant 0 : i32
      %dma_start3A_681 = tpu.memref_slice %arg10[%dma_start3A_678, %dma_start3A_679, %dma_start3A_680] : memref<2x50x128xf32, #tpu.memory_space<vmem>> -> memref<1x50x128xf32, #tpu.memory_space<vmem>>
      %dma_start3A_682 = tpu.memref_squeeze %dma_start3A_681 : memref<1x50x128xf32, #tpu.memory_space<vmem>> -> memref<50x128xf32, #tpu.memory_space<vmem>>
      %dma_start3A_683 = arith.constant 0 : i32
      %dma_start3A_684 = tpu.memref_slice %arg5[%add3A_677, %dma_start3A_683] : memref<128x50xi32, #tpu.memory_space<vmem>> -> memref<1x50xi32, #tpu.memory_space<vmem>>
      %dma_start3A_685 = tpu.memref_squeeze %dma_start3A_684 : memref<1x50xi32, #tpu.memory_space<vmem>> -> memref<50xi32, #tpu.memory_space<vmem>>
      %dma_start3A_686 = arith.constant 0 : i32
      %dma_start3A_687 = arith.constant 0 : i32
      %dma_start3A_688 = tpu.memref_slice %arg3[%dma_start3A_686, %dma_start3A_687] : memref<100000x128xf32, #tpu.memory_space<hbm>> -> memref<100000x128xf32, #tpu.memory_space<hbm>>
      tpu.enqueue_indirect_dma source(%dma_start3A_688 : memref<100000x128xf32, #tpu.memory_space<hbm>>) target(%dma_start3A_682 : memref<50x128xf32, #tpu.memory_space<vmem>>) offsets(%dma_start3A_685 : memref<50xi32, #tpu.memory_space<vmem>>) semaphore(%arg18 : memref<!tpu.dma_semaphore, #tpu.memory_space<semaphore_mem>>)
      %dma_wait3A_689 = arith.constant 0 : i32
      %dma_wait3A_690 = arith.constant 0 : i32
      %dma_wait3A_691 = arith.constant 0 : i32
      %dma_wait3A_692 = tpu.memref_slice %arg4[%dma_wait3A_689, %dma_wait3A_690, %dma_wait3A_691] : memref<4096x50x128xf32, #tpu.memory_space<hbm>> -> memref<2x50x128xf32, #tpu.memory_space<hbm>>
      %dma_wait3A_693 = arith.constant 0 : i32
      %dma_wait3A_694 = arith.constant 0 : i32
      %dma_wait3A_695 = arith.constant 0 : i32
      %dma_wait3A_696 = tpu.memref_slice %arg4[%dma_wait3A_693, %dma_wait3A_694, %dma_wait3A_695] : memref<4096x50x128xf32, #tpu.memory_space<hbm>> -> memref<2x50x128xf32, #tpu.memory_space<hbm>>
      tpu.wait_dma2 semaphore(%arg20 : memref<!tpu.dma_semaphore, #tpu.memory_space<semaphore_mem>>) src(%dma_wait3A_696 : memref<2x50x128xf32, #tpu.memory_space<hbm>>) dst(%arg12 : memref<2x50x128xf32, #tpu.memory_space<vmem>>)
      %mul3A_697 = arith.constant 2 : i32
      %mul3A_698 = arith.muli %add3A_648, %mul3A_697 : i32
      %add3A_699 = arith.addi %mul3A_2, %mul3A_698 : i32
      %dma_start3A_700 = arith.constant 0 : i32
      %dma_start3A_701 = arith.constant 0 : i32
      %dma_start3A_702 = tpu.memref_slice %arg4[%add3A_699, %dma_start3A_700, %dma_start3A_701] : memref<4096x50x128xf32, #tpu.memory_space<hbm>> -> memref<2x50x128xf32, #tpu.memory_space<hbm>>
      %dma_start3A_703 = arith.constant 0 : i32
      %dma_start3A_704 = arith.constant 0 : i32
      %dma_start3A_705 = tpu.memref_slice %arg4[%add3A_699, %dma_start3A_703, %dma_start3A_704] : memref<4096x50x128xf32, #tpu.memory_space<hbm>> -> memref<2x50x128xf32, #tpu.memory_space<hbm>>
      tpu.enqueue_dma source(%arg12 : memref<2x50x128xf32, #tpu.memory_space<vmem>>) target(%dma_start3A_705 : memref<2x50x128xf32, #tpu.memory_space<hbm>>) target_semaphore(%arg28 : memref<!tpu.dma_semaphore, #tpu.memory_space<semaphore_mem>>)
      %mul3A_706 = arith.constant 8 : i32
      %mul3A_707 = arith.muli %scan3A_390, %mul3A_706 : i32
      %add3A_708 = arith.constant 2 : i32
      %add3A_709 = arith.addi %add3A_708, %mul3A_707 : i32
      %add3A_710 = arith.constant 5 : i32
      %add3A_711 = arith.addi %add3A_709, %add3A_710 : i32
      %dma_wait3A_712 = arith.constant 0 : i32
      %dma_wait3A_713 = arith.constant 0 : i32
      %dma_wait3A_714 = arith.constant 0 : i32
      %dma_wait3A_715 = tpu.memref_slice %arg4[%dma_wait3A_712, %dma_wait3A_713, %dma_wait3A_714] : memref<4096x50x128xf32, #tpu.memory_space<hbm>> -> memref<2x50x128xf32, #tpu.memory_space<hbm>>
      %dma_wait3A_716 = arith.constant 0 : i32
      %dma_wait3A_717 = arith.constant 0 : i32
      %dma_wait3A_718 = arith.constant 0 : i32
      %dma_wait3A_719 = tpu.memref_slice %arg4[%dma_wait3A_716, %dma_wait3A_717, %dma_wait3A_718] : memref<4096x50x128xf32, #tpu.memory_space<hbm>> -> memref<2x50x128xf32, #tpu.memory_space<hbm>>
      tpu.wait_dma2 semaphore(%arg27 : memref<!tpu.dma_semaphore, #tpu.memory_space<semaphore_mem>>) src(%arg11 : memref<2x50x128xf32, #tpu.memory_space<vmem>>) dst(%dma_wait3A_719 : memref<2x50x128xf32, #tpu.memory_space<hbm>>)
      %add3A_720 = arith.constant 6 : i32
      %add3A_721 = arith.addi %add3A_711, %add3A_720 : i32
      %mul3A_722 = arith.constant 2 : i32
      %mul3A_723 = arith.muli %add3A_721, %mul3A_722 : i32
      %add3A_724 = arith.constant 0 : i32
      %add3A_725 = arith.addi %mul3A_723, %add3A_724 : i32
      %dma_start3A_726 = arith.constant 0 : i32
      %dma_start3A_727 = arith.constant 0 : i32
      %dma_start3A_728 = arith.constant 0 : i32
      %dma_start3A_729 = tpu.memref_slice %arg11[%dma_start3A_726, %dma_start3A_727, %dma_start3A_728] : memref<2x50x128xf32, #tpu.memory_space<vmem>> -> memref<1x50x128xf32, #tpu.memory_space<vmem>>
      %dma_start3A_730 = tpu.memref_squeeze %dma_start3A_729 : memref<1x50x128xf32, #tpu.memory_space<vmem>> -> memref<50x128xf32, #tpu.memory_space<vmem>>
      %dma_start3A_731 = arith.constant 0 : i32
      %dma_start3A_732 = tpu.memref_slice %arg5[%add3A_725, %dma_start3A_731] : memref<128x50xi32, #tpu.memory_space<vmem>> -> memref<1x50xi32, #tpu.memory_space<vmem>>
      %dma_start3A_733 = tpu.memref_squeeze %dma_start3A_732 : memref<1x50xi32, #tpu.memory_space<vmem>> -> memref<50xi32, #tpu.memory_space<vmem>>
      %dma_start3A_734 = arith.constant 0 : i32
      %dma_start3A_735 = arith.constant 0 : i32
      %dma_start3A_736 = tpu.memref_slice %arg3[%dma_start3A_734, %dma_start3A_735] : memref<100000x128xf32, #tpu.memory_space<hbm>> -> memref<100000x128xf32, #tpu.memory_space<hbm>>
      tpu.enqueue_indirect_dma source(%dma_start3A_736 : memref<100000x128xf32, #tpu.memory_space<hbm>>) target(%dma_start3A_730 : memref<50x128xf32, #tpu.memory_space<vmem>>) offsets(%dma_start3A_733 : memref<50xi32, #tpu.memory_space<vmem>>) semaphore(%arg19 : memref<!tpu.dma_semaphore, #tpu.memory_space<semaphore_mem>>)
      %mul3A_737 = arith.constant 2 : i32
      %mul3A_738 = arith.muli %add3A_721, %mul3A_737 : i32
      %add3A_739 = arith.constant 1 : i32
      %add3A_740 = arith.addi %mul3A_738, %add3A_739 : i32
      %dma_start3A_741 = arith.constant 1 : i32
      %dma_start3A_742 = arith.constant 0 : i32
      %dma_start3A_743 = arith.constant 0 : i32
      %dma_start3A_744 = tpu.memref_slice %arg11[%dma_start3A_741, %dma_start3A_742, %dma_start3A_743] : memref<2x50x128xf32, #tpu.memory_space<vmem>> -> memref<1x50x128xf32, #tpu.memory_space<vmem>>
      %dma_start3A_745 = tpu.memref_squeeze %dma_start3A_744 : memref<1x50x128xf32, #tpu.memory_space<vmem>> -> memref<50x128xf32, #tpu.memory_space<vmem>>
      %dma_start3A_746 = arith.constant 0 : i32
      %dma_start3A_747 = tpu.memref_slice %arg5[%add3A_740, %dma_start3A_746] : memref<128x50xi32, #tpu.memory_space<vmem>> -> memref<1x50xi32, #tpu.memory_space<vmem>>
      %dma_start3A_748 = tpu.memref_squeeze %dma_start3A_747 : memref<1x50xi32, #tpu.memory_space<vmem>> -> memref<50xi32, #tpu.memory_space<vmem>>
      %dma_start3A_749 = arith.constant 0 : i32
      %dma_start3A_750 = arith.constant 0 : i32
      %dma_start3A_751 = tpu.memref_slice %arg3[%dma_start3A_749, %dma_start3A_750] : memref<100000x128xf32, #tpu.memory_space<hbm>> -> memref<100000x128xf32, #tpu.memory_space<hbm>>
      tpu.enqueue_indirect_dma source(%dma_start3A_751 : memref<100000x128xf32, #tpu.memory_space<hbm>>) target(%dma_start3A_745 : memref<50x128xf32, #tpu.memory_space<vmem>>) offsets(%dma_start3A_748 : memref<50xi32, #tpu.memory_space<vmem>>) semaphore(%arg19 : memref<!tpu.dma_semaphore, #tpu.memory_space<semaphore_mem>>)
      %dma_wait3A_752 = arith.constant 0 : i32
      %dma_wait3A_753 = arith.constant 0 : i32
      %dma_wait3A_754 = arith.constant 0 : i32
      %dma_wait3A_755 = tpu.memref_slice %arg4[%dma_wait3A_752, %dma_wait3A_753, %dma_wait3A_754] : memref<4096x50x128xf32, #tpu.memory_space<hbm>> -> memref<2x50x128xf32, #tpu.memory_space<hbm>>
      %dma_wait3A_756 = arith.constant 0 : i32
      %dma_wait3A_757 = arith.constant 0 : i32
      %dma_wait3A_758 = arith.constant 0 : i32
      %dma_wait3A_759 = tpu.memref_slice %arg4[%dma_wait3A_756, %dma_wait3A_757, %dma_wait3A_758] : memref<4096x50x128xf32, #tpu.memory_space<hbm>> -> memref<2x50x128xf32, #tpu.memory_space<hbm>>
      tpu.wait_dma2 semaphore(%arg21 : memref<!tpu.dma_semaphore, #tpu.memory_space<semaphore_mem>>) src(%dma_wait3A_759 : memref<2x50x128xf32, #tpu.memory_space<hbm>>) dst(%arg13 : memref<2x50x128xf32, #tpu.memory_space<vmem>>)
      %mul3A_760 = arith.constant 2 : i32
      %mul3A_761 = arith.muli %add3A_711, %mul3A_760 : i32
      %add3A_762 = arith.addi %mul3A_2, %mul3A_761 : i32
      %dma_start3A_763 = arith.constant 0 : i32
      %dma_start3A_764 = arith.constant 0 : i32
      %dma_start3A_765 = tpu.memref_slice %arg4[%add3A_762, %dma_start3A_763, %dma_start3A_764] : memref<4096x50x128xf32, #tpu.memory_space<hbm>> -> memref<2x50x128xf32, #tpu.memory_space<hbm>>
      %dma_start3A_766 = arith.constant 0 : i32
      %dma_start3A_767 = arith.constant 0 : i32
      %dma_start3A_768 = tpu.memref_slice %arg4[%add3A_762, %dma_start3A_766, %dma_start3A_767] : memref<4096x50x128xf32, #tpu.memory_space<hbm>> -> memref<2x50x128xf32, #tpu.memory_space<hbm>>
      tpu.enqueue_dma source(%arg13 : memref<2x50x128xf32, #tpu.memory_space<vmem>>) target(%dma_start3A_768 : memref<2x50x128xf32, #tpu.memory_space<hbm>>) target_semaphore(%arg29 : memref<!tpu.dma_semaphore, #tpu.memory_space<semaphore_mem>>)
      %mul3A_769 = arith.constant 8 : i32
      %mul3A_770 = arith.muli %scan3A_390, %mul3A_769 : i32
      %add3A_771 = arith.constant 2 : i32
      %add3A_772 = arith.addi %add3A_771, %mul3A_770 : i32
      %add3A_773 = arith.constant 6 : i32
      %add3A_774 = arith.addi %add3A_772, %add3A_773 : i32
      %dma_wait3A_775 = arith.constant 0 : i32
      %dma_wait3A_776 = arith.constant 0 : i32
      %dma_wait3A_777 = arith.constant 0 : i32
      %dma_wait3A_778 = tpu.memref_slice %arg4[%dma_wait3A_775, %dma_wait3A_776, %dma_wait3A_777] : memref<4096x50x128xf32, #tpu.memory_space<hbm>> -> memref<2x50x128xf32, #tpu.memory_space<hbm>>
      %dma_wait3A_779 = arith.constant 0 : i32
      %dma_wait3A_780 = arith.constant 0 : i32
      %dma_wait3A_781 = arith.constant 0 : i32
      %dma_wait3A_782 = tpu.memref_slice %arg4[%dma_wait3A_779, %dma_wait3A_780, %dma_wait3A_781] : memref<4096x50x128xf32, #tpu.memory_space<hbm>> -> memref<2x50x128xf32, #tpu.memory_space<hbm>>
      tpu.wait_dma2 semaphore(%arg28 : memref<!tpu.dma_semaphore, #tpu.memory_space<semaphore_mem>>) src(%arg12 : memref<2x50x128xf32, #tpu.memory_space<vmem>>) dst(%dma_wait3A_782 : memref<2x50x128xf32, #tpu.memory_space<hbm>>)
      %add3A_783 = arith.constant 6 : i32
      %add3A_784 = arith.addi %add3A_774, %add3A_783 : i32
      %mul3A_785 = arith.constant 2 : i32
      %mul3A_786 = arith.muli %add3A_784, %mul3A_785 : i32
      %add3A_787 = arith.constant 0 : i32
      %add3A_788 = arith.addi %mul3A_786, %add3A_787 : i32
      %dma_start3A_789 = arith.constant 0 : i32
      %dma_start3A_790 = arith.constant 0 : i32
      %dma_start3A_791 = arith.constant 0 : i32
      %dma_start3A_792 = tpu.memref_slice %arg12[%dma_start3A_789, %dma_start3A_790, %dma_start3A_791] : memref<2x50x128xf32, #tpu.memory_space<vmem>> -> memref<1x50x128xf32, #tpu.memory_space<vmem>>
      %dma_start3A_793 = tpu.memref_squeeze %dma_start3A_792 : memref<1x50x128xf32, #tpu.memory_space<vmem>> -> memref<50x128xf32, #tpu.memory_space<vmem>>
      %dma_start3A_794 = arith.constant 0 : i32
      %dma_start3A_795 = tpu.memref_slice %arg5[%add3A_788, %dma_start3A_794] : memref<128x50xi32, #tpu.memory_space<vmem>> -> memref<1x50xi32, #tpu.memory_space<vmem>>
      %dma_start3A_796 = tpu.memref_squeeze %dma_start3A_795 : memref<1x50xi32, #tpu.memory_space<vmem>> -> memref<50xi32, #tpu.memory_space<vmem>>
      %dma_start3A_797 = arith.constant 0 : i32
      %dma_start3A_798 = arith.constant 0 : i32
      %dma_start3A_799 = tpu.memref_slice %arg3[%dma_start3A_797, %dma_start3A_798] : memref<100000x128xf32, #tpu.memory_space<hbm>> -> memref<100000x128xf32, #tpu.memory_space<hbm>>
      tpu.enqueue_indirect_dma source(%dma_start3A_799 : memref<100000x128xf32, #tpu.memory_space<hbm>>) target(%dma_start3A_793 : memref<50x128xf32, #tpu.memory_space<vmem>>) offsets(%dma_start3A_796 : memref<50xi32, #tpu.memory_space<vmem>>) semaphore(%arg20 : memref<!tpu.dma_semaphore, #tpu.memory_space<semaphore_mem>>)
      %mul3A_800 = arith.constant 2 : i32
      %mul3A_801 = arith.muli %add3A_784, %mul3A_800 : i32
      %add3A_802 = arith.constant 1 : i32
      %add3A_803 = arith.addi %mul3A_801, %add3A_802 : i32
      %dma_start3A_804 = arith.constant 1 : i32
      %dma_start3A_805 = arith.constant 0 : i32
      %dma_start3A_806 = arith.constant 0 : i32
      %dma_start3A_807 = tpu.memref_slice %arg12[%dma_start3A_804, %dma_start3A_805, %dma_start3A_806] : memref<2x50x128xf32, #tpu.memory_space<vmem>> -> memref<1x50x128xf32, #tpu.memory_space<vmem>>
      %dma_start3A_808 = tpu.memref_squeeze %dma_start3A_807 : memref<1x50x128xf32, #tpu.memory_space<vmem>> -> memref<50x128xf32, #tpu.memory_space<vmem>>
      %dma_start3A_809 = arith.constant 0 : i32
      %dma_start3A_810 = tpu.memref_slice %arg5[%add3A_803, %dma_start3A_809] : memref<128x50xi32, #tpu.memory_space<vmem>> -> memref<1x50xi32, #tpu.memory_space<vmem>>
      %dma_start3A_811 = tpu.memref_squeeze %dma_start3A_810 : memref<1x50xi32, #tpu.memory_space<vmem>> -> memref<50xi32, #tpu.memory_space<vmem>>
      %dma_start3A_812 = arith.constant 0 : i32
      %dma_start3A_813 = arith.constant 0 : i32
      %dma_start3A_814 = tpu.memref_slice %arg3[%dma_start3A_812, %dma_start3A_813] : memref<100000x128xf32, #tpu.memory_space<hbm>> -> memref<100000x128xf32, #tpu.memory_space<hbm>>
      tpu.enqueue_indirect_dma source(%dma_start3A_814 : memref<100000x128xf32, #tpu.memory_space<hbm>>) target(%dma_start3A_808 : memref<50x128xf32, #tpu.memory_space<vmem>>) offsets(%dma_start3A_811 : memref<50xi32, #tpu.memory_space<vmem>>) semaphore(%arg20 : memref<!tpu.dma_semaphore, #tpu.memory_space<semaphore_mem>>)
      %dma_wait3A_815 = arith.constant 0 : i32
      %dma_wait3A_816 = arith.constant 0 : i32
      %dma_wait3A_817 = arith.constant 0 : i32
      %dma_wait3A_818 = tpu.memref_slice %arg4[%dma_wait3A_815, %dma_wait3A_816, %dma_wait3A_817] : memref<4096x50x128xf32, #tpu.memory_space<hbm>> -> memref<2x50x128xf32, #tpu.memory_space<hbm>>
      %dma_wait3A_819 = arith.constant 0 : i32
      %dma_wait3A_820 = arith.constant 0 : i32
      %dma_wait3A_821 = arith.constant 0 : i32
      %dma_wait3A_822 = tpu.memref_slice %arg4[%dma_wait3A_819, %dma_wait3A_820, %dma_wait3A_821] : memref<4096x50x128xf32, #tpu.memory_space<hbm>> -> memref<2x50x128xf32, #tpu.memory_space<hbm>>
      tpu.wait_dma2 semaphore(%arg14 : memref<!tpu.dma_semaphore, #tpu.memory_space<semaphore_mem>>) src(%dma_wait3A_822 : memref<2x50x128xf32, #tpu.memory_space<hbm>>) dst(%arg6 : memref<2x50x128xf32, #tpu.memory_space<vmem>>)
      %mul3A_823 = arith.constant 2 : i32
      %mul3A_824 = arith.muli %add3A_774, %mul3A_823 : i32
      %add3A_825 = arith.addi %mul3A_2, %mul3A_824 : i32
      %dma_start3A_826 = arith.constant 0 : i32
      %dma_start3A_827 = arith.constant 0 : i32
      %dma_start3A_828 = tpu.memref_slice %arg4[%add3A_825, %dma_start3A_826, %dma_start3A_827] : memref<4096x50x128xf32, #tpu.memory_space<hbm>> -> memref<2x50x128xf32, #tpu.memory_space<hbm>>
      %dma_start3A_829 = arith.constant 0 : i32
      %dma_start3A_830 = arith.constant 0 : i32
      %dma_start3A_831 = tpu.memref_slice %arg4[%add3A_825, %dma_start3A_829, %dma_start3A_830] : memref<4096x50x128xf32, #tpu.memory_space<hbm>> -> memref<2x50x128xf32, #tpu.memory_space<hbm>>
      tpu.enqueue_dma source(%arg6 : memref<2x50x128xf32, #tpu.memory_space<vmem>>) target(%dma_start3A_831 : memref<2x50x128xf32, #tpu.memory_space<hbm>>) target_semaphore(%arg22 : memref<!tpu.dma_semaphore, #tpu.memory_space<semaphore_mem>>)
      %mul3A_832 = arith.constant 8 : i32
      %mul3A_833 = arith.muli %scan3A_390, %mul3A_832 : i32
      %add3A_834 = arith.constant 2 : i32
      %add3A_835 = arith.addi %add3A_834, %mul3A_833 : i32
      %add3A_836 = arith.constant 7 : i32
      %add3A_837 = arith.addi %add3A_835, %add3A_836 : i32
      %dma_wait3A_838 = arith.constant 0 : i32
      %dma_wait3A_839 = arith.constant 0 : i32
      %dma_wait3A_840 = arith.constant 0 : i32
      %dma_wait3A_841 = tpu.memref_slice %arg4[%dma_wait3A_838, %dma_wait3A_839, %dma_wait3A_840] : memref<4096x50x128xf32, #tpu.memory_space<hbm>> -> memref<2x50x128xf32, #tpu.memory_space<hbm>>
      %dma_wait3A_842 = arith.constant 0 : i32
      %dma_wait3A_843 = arith.constant 0 : i32
      %dma_wait3A_844 = arith.constant 0 : i32
      %dma_wait3A_845 = tpu.memref_slice %arg4[%dma_wait3A_842, %dma_wait3A_843, %dma_wait3A_844] : memref<4096x50x128xf32, #tpu.memory_space<hbm>> -> memref<2x50x128xf32, #tpu.memory_space<hbm>>
      tpu.wait_dma2 semaphore(%arg29 : memref<!tpu.dma_semaphore, #tpu.memory_space<semaphore_mem>>) src(%arg13 : memref<2x50x128xf32, #tpu.memory_space<vmem>>) dst(%dma_wait3A_845 : memref<2x50x128xf32, #tpu.memory_space<hbm>>)
      %add3A_846 = arith.constant 6 : i32
      %add3A_847 = arith.addi %add3A_837, %add3A_846 : i32
      %mul3A_848 = arith.constant 2 : i32
      %mul3A_849 = arith.muli %add3A_847, %mul3A_848 : i32
      %add3A_850 = arith.constant 0 : i32
      %add3A_851 = arith.addi %mul3A_849, %add3A_850 : i32
      %dma_start3A_852 = arith.constant 0 : i32
      %dma_start3A_853 = arith.constant 0 : i32
      %dma_start3A_854 = arith.constant 0 : i32
      %dma_start3A_855 = tpu.memref_slice %arg13[%dma_start3A_852, %dma_start3A_853, %dma_start3A_854] : memref<2x50x128xf32, #tpu.memory_space<vmem>> -> memref<1x50x128xf32, #tpu.memory_space<vmem>>
      %dma_start3A_856 = tpu.memref_squeeze %dma_start3A_855 : memref<1x50x128xf32, #tpu.memory_space<vmem>> -> memref<50x128xf32, #tpu.memory_space<vmem>>
      %dma_start3A_857 = arith.constant 0 : i32
      %dma_start3A_858 = tpu.memref_slice %arg5[%add3A_851, %dma_start3A_857] : memref<128x50xi32, #tpu.memory_space<vmem>> -> memref<1x50xi32, #tpu.memory_space<vmem>>
      %dma_start3A_859 = tpu.memref_squeeze %dma_start3A_858 : memref<1x50xi32, #tpu.memory_space<vmem>> -> memref<50xi32, #tpu.memory_space<vmem>>
      %dma_start3A_860 = arith.constant 0 : i32
      %dma_start3A_861 = arith.constant 0 : i32
      %dma_start3A_862 = tpu.memref_slice %arg3[%dma_start3A_860, %dma_start3A_861] : memref<100000x128xf32, #tpu.memory_space<hbm>> -> memref<100000x128xf32, #tpu.memory_space<hbm>>
      tpu.enqueue_indirect_dma source(%dma_start3A_862 : memref<100000x128xf32, #tpu.memory_space<hbm>>) target(%dma_start3A_856 : memref<50x128xf32, #tpu.memory_space<vmem>>) offsets(%dma_start3A_859 : memref<50xi32, #tpu.memory_space<vmem>>) semaphore(%arg21 : memref<!tpu.dma_semaphore, #tpu.memory_space<semaphore_mem>>)
      %mul3A_863 = arith.constant 2 : i32
      %mul3A_864 = arith.muli %add3A_847, %mul3A_863 : i32
      %add3A_865 = arith.constant 1 : i32
      %add3A_866 = arith.addi %mul3A_864, %add3A_865 : i32
      %dma_start3A_867 = arith.constant 1 : i32
      %dma_start3A_868 = arith.constant 0 : i32
      %dma_start3A_869 = arith.constant 0 : i32
      %dma_start3A_870 = tpu.memref_slice %arg13[%dma_start3A_867, %dma_start3A_868, %dma_start3A_869] : memref<2x50x128xf32, #tpu.memory_space<vmem>> -> memref<1x50x128xf32, #tpu.memory_space<vmem>>
      %dma_start3A_871 = tpu.memref_squeeze %dma_start3A_870 : memref<1x50x128xf32, #tpu.memory_space<vmem>> -> memref<50x128xf32, #tpu.memory_space<vmem>>
      %dma_start3A_872 = arith.constant 0 : i32
      %dma_start3A_873 = tpu.memref_slice %arg5[%add3A_866, %dma_start3A_872] : memref<128x50xi32, #tpu.memory_space<vmem>> -> memref<1x50xi32, #tpu.memory_space<vmem>>
      %dma_start3A_874 = tpu.memref_squeeze %dma_start3A_873 : memref<1x50xi32, #tpu.memory_space<vmem>> -> memref<50xi32, #tpu.memory_space<vmem>>
      %dma_start3A_875 = arith.constant 0 : i32
      %dma_start3A_876 = arith.constant 0 : i32
      %dma_start3A_877 = tpu.memref_slice %arg3[%dma_start3A_875, %dma_start3A_876] : memref<100000x128xf32, #tpu.memory_space<hbm>> -> memref<100000x128xf32, #tpu.memory_space<hbm>>
      tpu.enqueue_indirect_dma source(%dma_start3A_877 : memref<100000x128xf32, #tpu.memory_space<hbm>>) target(%dma_start3A_871 : memref<50x128xf32, #tpu.memory_space<vmem>>) offsets(%dma_start3A_874 : memref<50xi32, #tpu.memory_space<vmem>>) semaphore(%arg21 : memref<!tpu.dma_semaphore, #tpu.memory_space<semaphore_mem>>)
      %dma_wait3A_878 = arith.constant 0 : i32
      %dma_wait3A_879 = arith.constant 0 : i32
      %dma_wait3A_880 = arith.constant 0 : i32
      %dma_wait3A_881 = tpu.memref_slice %arg4[%dma_wait3A_878, %dma_wait3A_879, %dma_wait3A_880] : memref<4096x50x128xf32, #tpu.memory_space<hbm>> -> memref<2x50x128xf32, #tpu.memory_space<hbm>>
      %dma_wait3A_882 = arith.constant 0 : i32
      %dma_wait3A_883 = arith.constant 0 : i32
      %dma_wait3A_884 = arith.constant 0 : i32
      %dma_wait3A_885 = tpu.memref_slice %arg4[%dma_wait3A_882, %dma_wait3A_883, %dma_wait3A_884] : memref<4096x50x128xf32, #tpu.memory_space<hbm>> -> memref<2x50x128xf32, #tpu.memory_space<hbm>>
      tpu.wait_dma2 semaphore(%arg15 : memref<!tpu.dma_semaphore, #tpu.memory_space<semaphore_mem>>) src(%dma_wait3A_885 : memref<2x50x128xf32, #tpu.memory_space<hbm>>) dst(%arg7 : memref<2x50x128xf32, #tpu.memory_space<vmem>>)
      %mul3A_886 = arith.constant 2 : i32
      %mul3A_887 = arith.muli %add3A_837, %mul3A_886 : i32
      %add3A_888 = arith.addi %mul3A_2, %mul3A_887 : i32
      %dma_start3A_889 = arith.constant 0 : i32
      %dma_start3A_890 = arith.constant 0 : i32
      %dma_start3A_891 = tpu.memref_slice %arg4[%add3A_888, %dma_start3A_889, %dma_start3A_890] : memref<4096x50x128xf32, #tpu.memory_space<hbm>> -> memref<2x50x128xf32, #tpu.memory_space<hbm>>
      %dma_start3A_892 = arith.constant 0 : i32
      %dma_start3A_893 = arith.constant 0 : i32
      %dma_start3A_894 = tpu.memref_slice %arg4[%add3A_888, %dma_start3A_892, %dma_start3A_893] : memref<4096x50x128xf32, #tpu.memory_space<hbm>> -> memref<2x50x128xf32, #tpu.memory_space<hbm>>
      tpu.enqueue_dma source(%arg7 : memref<2x50x128xf32, #tpu.memory_space<vmem>>) target(%dma_start3A_894 : memref<2x50x128xf32, #tpu.memory_space<hbm>>) target_semaphore(%arg23 : memref<!tpu.dma_semaphore, #tpu.memory_space<semaphore_mem>>)
    }
    %scan3A_229 = arith.constant 7 : i32
    %dma_wait3A_230 = arith.constant 0 : i32
    %dma_wait3A_231 = arith.constant 0 : i32
    %dma_wait3A_232 = arith.constant 0 : i32
    %dma_wait3A_233 = tpu.memref_slice %arg4[%dma_wait3A_230, %dma_wait3A_231, %dma_wait3A_232] : memref<4096x50x128xf32, #tpu.memory_space<hbm>> -> memref<2x50x128xf32, #tpu.memory_space<hbm>>
    %dma_wait3A_234 = arith.constant 0 : i32
    %dma_wait3A_235 = arith.constant 0 : i32
    %dma_wait3A_236 = arith.constant 0 : i32
    %dma_wait3A_237 = tpu.memref_slice %arg4[%dma_wait3A_234, %dma_wait3A_235, %dma_wait3A_236] : memref<4096x50x128xf32, #tpu.memory_space<hbm>> -> memref<2x50x128xf32, #tpu.memory_space<hbm>>
    tpu.wait_dma2 semaphore(%arg22 : memref<!tpu.dma_semaphore, #tpu.memory_space<semaphore_mem>>) src(%arg6 : memref<2x50x128xf32, #tpu.memory_space<vmem>>) dst(%dma_wait3A_237 : memref<2x50x128xf32, #tpu.memory_space<hbm>>)
    %dma_wait3A_238 = arith.constant 0 : i32
    %dma_wait3A_239 = arith.constant 0 : i32
    %dma_wait3A_240 = arith.constant 0 : i32
    %dma_wait3A_241 = tpu.memref_slice %arg4[%dma_wait3A_238, %dma_wait3A_239, %dma_wait3A_240] : memref<4096x50x128xf32, #tpu.memory_space<hbm>> -> memref<2x50x128xf32, #tpu.memory_space<hbm>>
    %dma_wait3A_242 = arith.constant 0 : i32
    %dma_wait3A_243 = arith.constant 0 : i32
    %dma_wait3A_244 = arith.constant 0 : i32
    %dma_wait3A_245 = tpu.memref_slice %arg4[%dma_wait3A_242, %dma_wait3A_243, %dma_wait3A_244] : memref<4096x50x128xf32, #tpu.memory_space<hbm>> -> memref<2x50x128xf32, #tpu.memory_space<hbm>>
    tpu.wait_dma2 semaphore(%arg16 : memref<!tpu.dma_semaphore, #tpu.memory_space<semaphore_mem>>) src(%dma_wait3A_245 : memref<2x50x128xf32, #tpu.memory_space<hbm>>) dst(%arg8 : memref<2x50x128xf32, #tpu.memory_space<vmem>>)
    %add3A_246 = arith.constant 116 : i32
    %add3A_247 = arith.addi %mul3A_2, %add3A_246 : i32
    %dma_start3A_248 = arith.constant 0 : i32
    %dma_start3A_249 = arith.constant 0 : i32
    %dma_start3A_250 = tpu.memref_slice %arg4[%add3A_247, %dma_start3A_248, %dma_start3A_249] : memref<4096x50x128xf32, #tpu.memory_space<hbm>> -> memref<2x50x128xf32, #tpu.memory_space<hbm>>
    %dma_start3A_251 = arith.constant 0 : i32
    %dma_start3A_252 = arith.constant 0 : i32
    %dma_start3A_253 = tpu.memref_slice %arg4[%add3A_247, %dma_start3A_251, %dma_start3A_252] : memref<4096x50x128xf32, #tpu.memory_space<hbm>> -> memref<2x50x128xf32, #tpu.memory_space<hbm>>
    tpu.enqueue_dma source(%arg8 : memref<2x50x128xf32, #tpu.memory_space<vmem>>) target(%dma_start3A_253 : memref<2x50x128xf32, #tpu.memory_space<hbm>>) target_semaphore(%arg24 : memref<!tpu.dma_semaphore, #tpu.memory_space<semaphore_mem>>)
    %dma_wait3A_254 = arith.constant 0 : i32
    %dma_wait3A_255 = arith.constant 0 : i32
    %dma_wait3A_256 = arith.constant 0 : i32
    %dma_wait3A_257 = tpu.memref_slice %arg4[%dma_wait3A_254, %dma_wait3A_255, %dma_wait3A_256] : memref<4096x50x128xf32, #tpu.memory_space<hbm>> -> memref<2x50x128xf32, #tpu.memory_space<hbm>>
    %dma_wait3A_258 = arith.constant 0 : i32
    %dma_wait3A_259 = arith.constant 0 : i32
    %dma_wait3A_260 = arith.constant 0 : i32
    %dma_wait3A_261 = tpu.memref_slice %arg4[%dma_wait3A_258, %dma_wait3A_259, %dma_wait3A_260] : memref<4096x50x128xf32, #tpu.memory_space<hbm>> -> memref<2x50x128xf32, #tpu.memory_space<hbm>>
    tpu.wait_dma2 semaphore(%arg23 : memref<!tpu.dma_semaphore, #tpu.memory_space<semaphore_mem>>) src(%arg7 : memref<2x50x128xf32, #tpu.memory_space<vmem>>) dst(%dma_wait3A_261 : memref<2x50x128xf32, #tpu.memory_space<hbm>>)
    %dma_wait3A_262 = arith.constant 0 : i32
    %dma_wait3A_263 = arith.constant 0 : i32
    %dma_wait3A_264 = arith.constant 0 : i32
    %dma_wait3A_265 = tpu.memref_slice %arg4[%dma_wait3A_262, %dma_wait3A_263, %dma_wait3A_264] : memref<4096x50x128xf32, #tpu.memory_space<hbm>> -> memref<2x50x128xf32, #tpu.memory_space<hbm>>
    %dma_wait3A_266 = arith.constant 0 : i32
    %dma_wait3A_267 = arith.constant 0 : i32
    %dma_wait3A_268 = arith.constant 0 : i32
    %dma_wait3A_269 = tpu.memref_slice %arg4[%dma_wait3A_266, %dma_wait3A_267, %dma_wait3A_268] : memref<4096x50x128xf32, #tpu.memory_space<hbm>> -> memref<2x50x128xf32, #tpu.memory_space<hbm>>
    tpu.wait_dma2 semaphore(%arg17 : memref<!tpu.dma_semaphore, #tpu.memory_space<semaphore_mem>>) src(%dma_wait3A_269 : memref<2x50x128xf32, #tpu.memory_space<hbm>>) dst(%arg9 : memref<2x50x128xf32, #tpu.memory_space<vmem>>)
    %add3A_270 = arith.constant 118 : i32
    %add3A_271 = arith.addi %mul3A_2, %add3A_270 : i32
    %dma_start3A_272 = arith.constant 0 : i32
    %dma_start3A_273 = arith.constant 0 : i32
    %dma_start3A_274 = tpu.memref_slice %arg4[%add3A_271, %dma_start3A_272, %dma_start3A_273] : memref<4096x50x128xf32, #tpu.memory_space<hbm>> -> memref<2x50x128xf32, #tpu.memory_space<hbm>>
    %dma_start3A_275 = arith.constant 0 : i32
    %dma_start3A_276 = arith.constant 0 : i32
    %dma_start3A_277 = tpu.memref_slice %arg4[%add3A_271, %dma_start3A_275, %dma_start3A_276] : memref<4096x50x128xf32, #tpu.memory_space<hbm>> -> memref<2x50x128xf32, #tpu.memory_space<hbm>>
    tpu.enqueue_dma source(%arg9 : memref<2x50x128xf32, #tpu.memory_space<vmem>>) target(%dma_start3A_277 : memref<2x50x128xf32, #tpu.memory_space<hbm>>) target_semaphore(%arg25 : memref<!tpu.dma_semaphore, #tpu.memory_space<semaphore_mem>>)
    %dma_wait3A_278 = arith.constant 0 : i32
    %dma_wait3A_279 = arith.constant 0 : i32
    %dma_wait3A_280 = arith.constant 0 : i32
    %dma_wait3A_281 = tpu.memref_slice %arg4[%dma_wait3A_278, %dma_wait3A_279, %dma_wait3A_280] : memref<4096x50x128xf32, #tpu.memory_space<hbm>> -> memref<2x50x128xf32, #tpu.memory_space<hbm>>
    %dma_wait3A_282 = arith.constant 0 : i32
    %dma_wait3A_283 = arith.constant 0 : i32
    %dma_wait3A_284 = arith.constant 0 : i32
    %dma_wait3A_285 = tpu.memref_slice %arg4[%dma_wait3A_282, %dma_wait3A_283, %dma_wait3A_284] : memref<4096x50x128xf32, #tpu.memory_space<hbm>> -> memref<2x50x128xf32, #tpu.memory_space<hbm>>
    tpu.wait_dma2 semaphore(%arg24 : memref<!tpu.dma_semaphore, #tpu.memory_space<semaphore_mem>>) src(%arg8 : memref<2x50x128xf32, #tpu.memory_space<vmem>>) dst(%dma_wait3A_285 : memref<2x50x128xf32, #tpu.memory_space<hbm>>)
    %dma_wait3A_286 = arith.constant 0 : i32
    %dma_wait3A_287 = arith.constant 0 : i32
    %dma_wait3A_288 = arith.constant 0 : i32
    %dma_wait3A_289 = tpu.memref_slice %arg4[%dma_wait3A_286, %dma_wait3A_287, %dma_wait3A_288] : memref<4096x50x128xf32, #tpu.memory_space<hbm>> -> memref<2x50x128xf32, #tpu.memory_space<hbm>>
    %dma_wait3A_290 = arith.constant 0 : i32
    %dma_wait3A_291 = arith.constant 0 : i32
    %dma_wait3A_292 = arith.constant 0 : i32
    %dma_wait3A_293 = tpu.memref_slice %arg4[%dma_wait3A_290, %dma_wait3A_291, %dma_wait3A_292] : memref<4096x50x128xf32, #tpu.memory_space<hbm>> -> memref<2x50x128xf32, #tpu.memory_space<hbm>>
    tpu.wait_dma2 semaphore(%arg18 : memref<!tpu.dma_semaphore, #tpu.memory_space<semaphore_mem>>) src(%dma_wait3A_293 : memref<2x50x128xf32, #tpu.memory_space<hbm>>) dst(%arg10 : memref<2x50x128xf32, #tpu.memory_space<vmem>>)
    %add3A_294 = arith.constant 120 : i32
    %add3A_295 = arith.addi %mul3A_2, %add3A_294 : i32
    %dma_start3A_296 = arith.constant 0 : i32
    %dma_start3A_297 = arith.constant 0 : i32
    %dma_start3A_298 = tpu.memref_slice %arg4[%add3A_295, %dma_start3A_296, %dma_start3A_297] : memref<4096x50x128xf32, #tpu.memory_space<hbm>> -> memref<2x50x128xf32, #tpu.memory_space<hbm>>
    %dma_start3A_299 = arith.constant 0 : i32
    %dma_start3A_300 = arith.constant 0 : i32
    %dma_start3A_301 = tpu.memref_slice %arg4[%add3A_295, %dma_start3A_299, %dma_start3A_300] : memref<4096x50x128xf32, #tpu.memory_space<hbm>> -> memref<2x50x128xf32, #tpu.memory_space<hbm>>
    tpu.enqueue_dma source(%arg10 : memref<2x50x128xf32, #tpu.memory_space<vmem>>) target(%dma_start3A_301 : memref<2x50x128xf32, #tpu.memory_space<hbm>>) target_semaphore(%arg26 : memref<!tpu.dma_semaphore, #tpu.memory_space<semaphore_mem>>)
    %dma_wait3A_302 = arith.constant 0 : i32
    %dma_wait3A_303 = arith.constant 0 : i32
    %dma_wait3A_304 = arith.constant 0 : i32
    %dma_wait3A_305 = tpu.memref_slice %arg4[%dma_wait3A_302, %dma_wait3A_303, %dma_wait3A_304] : memref<4096x50x128xf32, #tpu.memory_space<hbm>> -> memref<2x50x128xf32, #tpu.memory_space<hbm>>
    %dma_wait3A_306 = arith.constant 0 : i32
    %dma_wait3A_307 = arith.constant 0 : i32
    %dma_wait3A_308 = arith.constant 0 : i32
    %dma_wait3A_309 = tpu.memref_slice %arg4[%dma_wait3A_306, %dma_wait3A_307, %dma_wait3A_308] : memref<4096x50x128xf32, #tpu.memory_space<hbm>> -> memref<2x50x128xf32, #tpu.memory_space<hbm>>
    tpu.wait_dma2 semaphore(%arg25 : memref<!tpu.dma_semaphore, #tpu.memory_space<semaphore_mem>>) src(%arg9 : memref<2x50x128xf32, #tpu.memory_space<vmem>>) dst(%dma_wait3A_309 : memref<2x50x128xf32, #tpu.memory_space<hbm>>)
    %dma_wait3A_310 = arith.constant 0 : i32
    %dma_wait3A_311 = arith.constant 0 : i32
    %dma_wait3A_312 = arith.constant 0 : i32
    %dma_wait3A_313 = tpu.memref_slice %arg4[%dma_wait3A_310, %dma_wait3A_311, %dma_wait3A_312] : memref<4096x50x128xf32, #tpu.memory_space<hbm>> -> memref<2x50x128xf32, #tpu.memory_space<hbm>>
    %dma_wait3A_314 = arith.constant 0 : i32
    %dma_wait3A_315 = arith.constant 0 : i32
    %dma_wait3A_316 = arith.constant 0 : i32
    %dma_wait3A_317 = tpu.memref_slice %arg4[%dma_wait3A_314, %dma_wait3A_315, %dma_wait3A_316] : memref<4096x50x128xf32, #tpu.memory_space<hbm>> -> memref<2x50x128xf32, #tpu.memory_space<hbm>>
    tpu.wait_dma2 semaphore(%arg19 : memref<!tpu.dma_semaphore, #tpu.memory_space<semaphore_mem>>) src(%dma_wait3A_317 : memref<2x50x128xf32, #tpu.memory_space<hbm>>) dst(%arg11 : memref<2x50x128xf32, #tpu.memory_space<vmem>>)
    %add3A_318 = arith.constant 122 : i32
    %add3A_319 = arith.addi %mul3A_2, %add3A_318 : i32
    %dma_start3A_320 = arith.constant 0 : i32
    %dma_start3A_321 = arith.constant 0 : i32
    %dma_start3A_322 = tpu.memref_slice %arg4[%add3A_319, %dma_start3A_320, %dma_start3A_321] : memref<4096x50x128xf32, #tpu.memory_space<hbm>> -> memref<2x50x128xf32, #tpu.memory_space<hbm>>
    %dma_start3A_323 = arith.constant 0 : i32
    %dma_start3A_324 = arith.constant 0 : i32
    %dma_start3A_325 = tpu.memref_slice %arg4[%add3A_319, %dma_start3A_323, %dma_start3A_324] : memref<4096x50x128xf32, #tpu.memory_space<hbm>> -> memref<2x50x128xf32, #tpu.memory_space<hbm>>
    tpu.enqueue_dma source(%arg11 : memref<2x50x128xf32, #tpu.memory_space<vmem>>) target(%dma_start3A_325 : memref<2x50x128xf32, #tpu.memory_space<hbm>>) target_semaphore(%arg27 : memref<!tpu.dma_semaphore, #tpu.memory_space<semaphore_mem>>)
    %dma_wait3A_326 = arith.constant 0 : i32
    %dma_wait3A_327 = arith.constant 0 : i32
    %dma_wait3A_328 = arith.constant 0 : i32
    %dma_wait3A_329 = tpu.memref_slice %arg4[%dma_wait3A_326, %dma_wait3A_327, %dma_wait3A_328] : memref<4096x50x128xf32, #tpu.memory_space<hbm>> -> memref<2x50x128xf32, #tpu.memory_space<hbm>>
    %dma_wait3A_330 = arith.constant 0 : i32
    %dma_wait3A_331 = arith.constant 0 : i32
    %dma_wait3A_332 = arith.constant 0 : i32
    %dma_wait3A_333 = tpu.memref_slice %arg4[%dma_wait3A_330, %dma_wait3A_331, %dma_wait3A_332] : memref<4096x50x128xf32, #tpu.memory_space<hbm>> -> memref<2x50x128xf32, #tpu.memory_space<hbm>>
    tpu.wait_dma2 semaphore(%arg26 : memref<!tpu.dma_semaphore, #tpu.memory_space<semaphore_mem>>) src(%arg10 : memref<2x50x128xf32, #tpu.memory_space<vmem>>) dst(%dma_wait3A_333 : memref<2x50x128xf32, #tpu.memory_space<hbm>>)
    %dma_wait3A_334 = arith.constant 0 : i32
    %dma_wait3A_335 = arith.constant 0 : i32
    %dma_wait3A_336 = arith.constant 0 : i32
    %dma_wait3A_337 = tpu.memref_slice %arg4[%dma_wait3A_334, %dma_wait3A_335, %dma_wait3A_336] : memref<4096x50x128xf32, #tpu.memory_space<hbm>> -> memref<2x50x128xf32, #tpu.memory_space<hbm>>
    %dma_wait3A_338 = arith.constant 0 : i32
    %dma_wait3A_339 = arith.constant 0 : i32
    %dma_wait3A_340 = arith.constant 0 : i32
    %dma_wait3A_341 = tpu.memref_slice %arg4[%dma_wait3A_338, %dma_wait3A_339, %dma_wait3A_340] : memref<4096x50x128xf32, #tpu.memory_space<hbm>> -> memref<2x50x128xf32, #tpu.memory_space<hbm>>
    tpu.wait_dma2 semaphore(%arg20 : memref<!tpu.dma_semaphore, #tpu.memory_space<semaphore_mem>>) src(%dma_wait3A_341 : memref<2x50x128xf32, #tpu.memory_space<hbm>>) dst(%arg12 : memref<2x50x128xf32, #tpu.memory_space<vmem>>)
    %add3A_342 = arith.constant 124 : i32
    %add3A_343 = arith.addi %mul3A_2, %add3A_342 : i32
    %dma_start3A_344 = arith.constant 0 : i32
    %dma_start3A_345 = arith.constant 0 : i32
    %dma_start3A_346 = tpu.memref_slice %arg4[%add3A_343, %dma_start3A_344, %dma_start3A_345] : memref<4096x50x128xf32, #tpu.memory_space<hbm>> -> memref<2x50x128xf32, #tpu.memory_space<hbm>>
    %dma_start3A_347 = arith.constant 0 : i32
    %dma_start3A_348 = arith.constant 0 : i32
    %dma_start3A_349 = tpu.memref_slice %arg4[%add3A_343, %dma_start3A_347, %dma_start3A_348] : memref<4096x50x128xf32, #tpu.memory_space<hbm>> -> memref<2x50x128xf32, #tpu.memory_space<hbm>>
    tpu.enqueue_dma source(%arg12 : memref<2x50x128xf32, #tpu.memory_space<vmem>>) target(%dma_start3A_349 : memref<2x50x128xf32, #tpu.memory_space<hbm>>) target_semaphore(%arg28 : memref<!tpu.dma_semaphore, #tpu.memory_space<semaphore_mem>>)
    %dma_wait3A_350 = arith.constant 0 : i32
    %dma_wait3A_351 = arith.constant 0 : i32
    %dma_wait3A_352 = arith.constant 0 : i32
    %dma_wait3A_353 = tpu.memref_slice %arg4[%dma_wait3A_350, %dma_wait3A_351, %dma_wait3A_352] : memref<4096x50x128xf32, #tpu.memory_space<hbm>> -> memref<2x50x128xf32, #tpu.memory_space<hbm>>
    %dma_wait3A_354 = arith.constant 0 : i32
    %dma_wait3A_355 = arith.constant 0 : i32
    %dma_wait3A_356 = arith.constant 0 : i32
    %dma_wait3A_357 = tpu.memref_slice %arg4[%dma_wait3A_354, %dma_wait3A_355, %dma_wait3A_356] : memref<4096x50x128xf32, #tpu.memory_space<hbm>> -> memref<2x50x128xf32, #tpu.memory_space<hbm>>
    tpu.wait_dma2 semaphore(%arg27 : memref<!tpu.dma_semaphore, #tpu.memory_space<semaphore_mem>>) src(%arg11 : memref<2x50x128xf32, #tpu.memory_space<vmem>>) dst(%dma_wait3A_357 : memref<2x50x128xf32, #tpu.memory_space<hbm>>)
    %dma_wait3A_358 = arith.constant 0 : i32
    %dma_wait3A_359 = arith.constant 0 : i32
    %dma_wait3A_360 = arith.constant 0 : i32
    %dma_wait3A_361 = tpu.memref_slice %arg4[%dma_wait3A_358, %dma_wait3A_359, %dma_wait3A_360] : memref<4096x50x128xf32, #tpu.memory_space<hbm>> -> memref<2x50x128xf32, #tpu.memory_space<hbm>>
    %dma_wait3A_362 = arith.constant 0 : i32
    %dma_wait3A_363 = arith.constant 0 : i32
    %dma_wait3A_364 = arith.constant 0 : i32
    %dma_wait3A_365 = tpu.memref_slice %arg4[%dma_wait3A_362, %dma_wait3A_363, %dma_wait3A_364] : memref<4096x50x128xf32, #tpu.memory_space<hbm>> -> memref<2x50x128xf32, #tpu.memory_space<hbm>>
    tpu.wait_dma2 semaphore(%arg21 : memref<!tpu.dma_semaphore, #tpu.memory_space<semaphore_mem>>) src(%dma_wait3A_365 : memref<2x50x128xf32, #tpu.memory_space<hbm>>) dst(%arg13 : memref<2x50x128xf32, #tpu.memory_space<vmem>>)
    %add3A_366 = arith.constant 126 : i32
    %add3A_367 = arith.addi %mul3A_2, %add3A_366 : i32
    %dma_start3A_368 = arith.constant 0 : i32
    %dma_start3A_369 = arith.constant 0 : i32
    %dma_start3A_370 = tpu.memref_slice %arg4[%add3A_367, %dma_start3A_368, %dma_start3A_369] : memref<4096x50x128xf32, #tpu.memory_space<hbm>> -> memref<2x50x128xf32, #tpu.memory_space<hbm>>
    %dma_start3A_371 = arith.constant 0 : i32
    %dma_start3A_372 = arith.constant 0 : i32
    %dma_start3A_373 = tpu.memref_slice %arg4[%add3A_367, %dma_start3A_371, %dma_start3A_372] : memref<4096x50x128xf32, #tpu.memory_space<hbm>> -> memref<2x50x128xf32, #tpu.memory_space<hbm>>
    tpu.enqueue_dma source(%arg13 : memref<2x50x128xf32, #tpu.memory_space<vmem>>) target(%dma_start3A_373 : memref<2x50x128xf32, #tpu.memory_space<hbm>>) target_semaphore(%arg29 : memref<!tpu.dma_semaphore, #tpu.memory_space<semaphore_mem>>)
    %dma_wait3A_374 = arith.constant 0 : i32
    %dma_wait3A_375 = arith.constant 0 : i32
    %dma_wait3A_376 = arith.constant 0 : i32
    %dma_wait3A_377 = tpu.memref_slice %arg4[%dma_wait3A_374, %dma_wait3A_375, %dma_wait3A_376] : memref<4096x50x128xf32, #tpu.memory_space<hbm>> -> memref<2x50x128xf32, #tpu.memory_space<hbm>>
    %dma_wait3A_378 = arith.constant 0 : i32
    %dma_wait3A_379 = arith.constant 0 : i32
    %dma_wait3A_380 = arith.constant 0 : i32
    %dma_wait3A_381 = tpu.memref_slice %arg4[%dma_wait3A_378, %dma_wait3A_379, %dma_wait3A_380] : memref<4096x50x128xf32, #tpu.memory_space<hbm>> -> memref<2x50x128xf32, #tpu.memory_space<hbm>>
    tpu.wait_dma2 semaphore(%arg28 : memref<!tpu.dma_semaphore, #tpu.memory_space<semaphore_mem>>) src(%arg12 : memref<2x50x128xf32, #tpu.memory_space<vmem>>) dst(%dma_wait3A_381 : memref<2x50x128xf32, #tpu.memory_space<hbm>>)
    %dma_wait3A_382 = arith.constant 0 : i32
    %dma_wait3A_383 = arith.constant 0 : i32
    %dma_wait3A_384 = arith.constant 0 : i32
    %dma_wait3A_385 = tpu.memref_slice %arg4[%dma_wait3A_382, %dma_wait3A_383, %dma_wait3A_384] : memref<4096x50x128xf32, #tpu.memory_space<hbm>> -> memref<2x50x128xf32, #tpu.memory_space<hbm>>
    %dma_wait3A_386 = arith.constant 0 : i32
    %dma_wait3A_387 = arith.constant 0 : i32
    %dma_wait3A_388 = arith.constant 0 : i32
    %dma_wait3A_389 = tpu.memref_slice %arg4[%dma_wait3A_386, %dma_wait3A_387, %dma_wait3A_388] : memref<4096x50x128xf32, #tpu.memory_space<hbm>> -> memref<2x50x128xf32, #tpu.memory_space<hbm>>
    tpu.wait_dma2 semaphore(%arg29 : memref<!tpu.dma_semaphore, #tpu.memory_space<semaphore_mem>>) src(%arg13 : memref<2x50x128xf32, #tpu.memory_space<vmem>>) dst(%dma_wait3A_389 : memref<2x50x128xf32, #tpu.memory_space<hbm>>)
    return
  }
}

</mosaic_0001>

<sc_bundles>
// kernel: kernel.3.cloned.1.call-start
scs
__scs_entry_jumppad:
0x0: {  	(pc) =	sbr.rel $0x88, $3  }
0x1: {  	(tag) =	ssettag $0x0;
	lr =	simm.s32 $0x1  }
0x2: {  	[smem:$0x3F9F] =	sst lr;
	_ =	strace $0xD0000000  }
0x3: {  	_ = 	snop  }
0x4: {  	_ = 	snop  }
0x5: {  	_ = 	snop  }
0x6: {  	_ = 	snop  }
0x7: {  	_ = 	snop  }
__scs_overlays_trampoline_lowered:
0x8: {  	[smem:$0x3FAE] =	sst s0  }
0x9: {  	[smem:$0x3FAF] =	sst s1  }
0xa: {  	[smem:$0x3FB0] =	sst s2  }
0xb: {  	[smem:$0x3FB1] =	sst s3  }
0xc: {  	[smem:$0x3FB2] =	sst s4  }
0xd: {  	[smem:$0x3FB3] =	sst s5  }
0xe: {  	[smem:$0x3FB4] =	sst s6  }
0xf: {  	[smem:$0x3FB5] =	sst s7  }
0x10: {  	[smem:$0x3FB6] =	sst s8  }
0x11: {  	[smem:$0x3FB7] =	sst s9;
	s0 =	simm.s32 @!p0 $0x0  }
0x12: {  	s1 =	sld [smem:$0x3F9D];
	s0 =	simm.s32 @p0 $0x1  }
0x13: {  	[smem:$0x3FB8] =	sst s0;
	s0 =	simm.s32 @!p1 $0x0  }
0x14: {  	s2 =	sld [smem:$0x3F9C];
	s0 =	simm.s32 @p1 $0x1  }
0x15: {  	[smem:$0x3FB9] =	sst s0;
	s0 =	simm.s32 @!p2 $0x0  }
0x16: {  	s3 =	sld [smem:$0x3FDB];
	s0 =	simm.s32 @p2 $0x1  }
0x17: {  	s4 =	simm.s32 $0x1BF5;
	[smem:$0x3FBB] =	sst s0  }
0x18: {  	s0 =	sld [smem:$0x3F9E];
	_ =	swait.ge [sflag:s4], $0x0  }
0x19: {  	s7 =	sld [smem:$0x3F9F]  }
0x1a: {  	s8 =	sadd.s32 $0xFFFFE003, lr  }
0x1b: {  	s9 =	sadd.s32 $0xFFFFFEF7, lr;
	s5 =	simm.s32 $0xFFFFFFFF;
	p2 =	slt.u32 s8, $0xFFFFF086  }
0x1c: {  	p1 =	slt.u32 s9, $0xF7A;
	s5 =	simm.s32 @!p2 $0x0  }
0x1d: {  	s5 =	simm.s32 @p1 $0x1;
	p0 =	seq.s32 s7, s2  }
0x1e: {  	s7 =	smul.u32 @!p0 $0xF7A, s2;
	p2 =	seq.s32 @!p0 s5, $0x0  }
0x1f: {  	s9 =	smul.u32 $0xF7A, s1;
	s8 =	simm.s32 @!p0 $0x1BF5;
	p2 =	por !p2, p0  }
0x20: {  	[sflag:s8] =	ssyncset.s32 @!p0 $0xFFFFF086;
	s6 =	sadd.s32 @!p0 s3, s7;
	s7 =	simm.s32 @!p0 $0x108  }
0x21: {  	s3 =	sadd.s32 s3, s9;
	s6 =	sadd.s32 @!p0 $0x88, s6;
	s7 =	simm.s32 @p2 $0x1082  }
0x22: {  	[simem:s7], [sflag:s8] =	dma.local @!p0 [hbm:s6], $0xF7A  }
0x23: {  	s9 =	sor.u32 $0xD0000000, s2;
	s6 =	simm.s32 $0x108;
	_ =	swait.ge @!p0 [sflag:s8], $0x0  }
0x24: {  	s3 =	sadd.s32 $0x88, s3;
	s6 =	simm.s32 @!p1 $0x1082;
	[sflag:s4] =	ssyncset.s32 $0xFFFFF086  }
0x25: {  	[simem:s6], [sflag:s4] =	dma.local [hbm:s3], $0xF7A  }
0x26: {  	[smem:$0x3F9F] =	sst s1;
	(tag) =	ssettag s2;
	_ =	strace s9  }
0x27: {  	s1 =	sld [smem:$0x3FAF]  }
0x28: {  	s2 =	sld [smem:$0x3FB0]  }
0x29: {  	s4 =	sld [smem:$0x3FB2]  }
0x2a: {  	p0 =	seq.s32 s5, $0x0;
	s5 =	sld [smem:$0x3FB3]  }
0x2b: {  	s6 =	sld [smem:$0x3FB4]  }
0x2c: {  	s7 =	sld [smem:$0x3FB5]  }
0x2d: {  	s3 =	simm.s32 $0x108;
	s8 =	sld [smem:$0x3FB6]  }
0x2e: {  	s3 =	simm.s32 @!p0 $0x1082;
	s9 =	sld [smem:$0x3FB7]  }
0x2f: {  	lr =	sadd.s32 s0, s3;
	s0 =	sld [smem:$0x3FAE]  }
0x30: {  	s3 =	sld [smem:$0x3FB1]  }
0x31: {  	[smem:$0x3FBA] =	sst s10  }
0x32: {  	s10 =	sld [smem:$0x3FB8];
	_ =	sdelay $0x3  }
0x33: {  	p0 =	seq.s32 s10, $0x1;
	s10 =	sld [smem:$0x3FBA];
	_ =	sdelay $0x3  }
0x34: {  	[smem:$0x3FBA] =	sst s10  }
0x35: {  	s10 =	sld [smem:$0x3FB9];
	_ =	sdelay $0x3  }
0x36: {  	p1 =	seq.s32 s10, $0x1;
	s10 =	sld [smem:$0x3FBA];
	_ =	sdelay $0x3  }
0x37: {  	[smem:$0x3FBA] =	sst s10  }
0x38: {  	s10 =	sld [smem:$0x3FBB]  }
0x39: {  	_ = 	snop;
	(pc) =	sbr.ind lr, $3  }
0x3a: {  	_ = 	snop  }
0x3b: {  	_ = 	snop  }
0x3c: {  	p2 =	seq.s32 s10, $0x1;
	s10 =	sld [smem:$0x3FBA]  }
0x3d: {  	_ =	shalt  }
0x3e: {  	_ =	shalt  }
0x3f: {  	_ =	shalt  }
0x40: {  	_ =	shalt  }
0x41: {  	_ =	shalt  }
0x42: {  	_ =	shalt  }
0x43: {  	_ =	shalt  }
0x44: {  	_ =	shalt  }
0x45: {  	_ =	shalt  }
0x46: {  	_ =	shalt  }
0x47: {  	_ =	shalt  }
0x48: {  	_ =	shalt  }
0x49: {  	_ =	shalt  }
0x4a: {  	_ =	shalt  }
0x4b: {  	_ =	shalt  }
0x4c: {  	_ =	shalt  }
0x4d: {  	_ =	shalt  }
0x4e: {  	_ =	shalt  }
0x4f: {  	_ =	shalt  }
0x50: {  	_ =	shalt  }
0x51: {  	_ =	shalt  }
0x52: {  	_ =	shalt  }
0x53: {  	_ =	shalt  }
0x54: {  	_ =	shalt  }
0x55: {  	_ =	shalt  }
0x56: {  	_ =	shalt  }
0x57: {  	_ =	shalt  }
0x58: {  	_ =	shalt  }
0x59: {  	_ =	shalt  }
0x5a: {  	_ =	shalt  }
0x5b: {  	_ =	shalt  }
0x5c: {  	_ =	shalt  }
0x5d: {  	_ =	shalt  }
0x5e: {  	_ =	shalt  }
0x5f: {  	_ =	shalt  }
0x60: {  	_ =	shalt  }
0x61: {  	_ =	shalt  }
0x62: {  	_ =	shalt  }
0x63: {  	_ =	shalt  }
0x64: {  	_ =	shalt  }
0x65: {  	_ =	shalt  }
0x66: {  	_ =	shalt  }
0x67: {  	_ =	shalt  }
0x68: {  	_ =	shalt  }
0x69: {  	_ =	shalt  }
0x6a: {  	_ =	shalt  }
0x6b: {  	_ =	shalt  }
0x6c: {  	_ =	shalt  }
0x6d: {  	_ =	shalt  }
0x6e: {  	_ =	shalt  }
0x6f: {  	_ =	shalt  }
0x70: {  	_ =	shalt  }
0x71: {  	_ =	shalt  }
0x72: {  	_ =	shalt  }
0x73: {  	_ =	shalt  }
0x74: {  	_ =	shalt  }
0x75: {  	_ =	shalt  }
0x76: {  	_ =	shalt  }
0x77: {  	_ =	shalt  }
0x78: {  	_ =	shalt  }
0x79: {  	_ =	shalt  }
0x7a: {  	_ =	shalt  }
0x7b: {  	_ =	shalt  }
0x7c: {  	_ =	shalt  }
0x7d: {  	_ =	shalt  }
0x7e: {  	_ =	shalt  }
0x7f: {  	_ =	shalt  }
0x80: {  	_ =	shalt  }
0x81: {  	_ =	shalt  }
0x82: {  	_ =	shalt  }
0x83: {  	_ =	shalt  }
0x84: {  	_ =	shalt  }
0x85: {  	_ =	shalt  }
0x86: {  	_ =	shalt  }
0x87: {  	_ =	shalt  }
.Lfunc_end0:
.L_simem_size_0:
called_computation_lowered:
.L_overlay_start_0:
0x88: {  	s2 =	sld [smem:$0x3FD9]  }
0x89: {  	s3 =	sld [smem:$0x3FFE];
	_ =	sdelay $0x1  }
0x8a: {  	s1 =	srdreg.scid  }
0x8b: {  	s0 =	sand.u32 $0x1, s1  }
0x8c: {  	s17 =	sshll.u32 s0, $0xA;
	s2 =	sadd.s32 s3, s2  }
0x8d: {  	s2 =	sadd.s32 s2, s17  }
0x8e: {  	[smem:$0x3FC6] =	sst s2  }
0x8f: {  	_ = 	snop  }
0x90: {  	s2 =	sld [smem:$0x3FC8]  }
0x91: {  	s18 =	sld [smem:$0x3FD0];
	(tm) =	ssettm $0x1  }
0x92: {  	s4 =	sld [smem:$0x3FFB];
	_ =	sdelay $0x3  }
0x93: {  	_ =	strace s4  }
0x94: {  	s4 =	sld [smem:$0x3FFC];
	_ =	sdelay $0x3  }
0x95: {  	_ =	strace s4  }
0x96: {  	s4 =	sld [smem:$0x3FFD];
	_ =	sdelay $0x3  }
0x97: {  	_ =	strace s4  }
0x98: {  	_ =	strace $0x8FFFFFFF  }
0x99: {  	s19 =	sld [smem:$0x3FDB];
	_ =	sdelay $0x1  }
0x9a: {  	s5 =	simm.s32 $_scs_section_size  }
0x9b: {  	s6 =	simm.s32 $_size__tile_overlayer_lowered;
	s7 =	simm.s32 $_tile_overlayer_lowered  }
0x9c: {  	s22 =	simm.s32 $0x1BFF;
	s21 =	sshll.u32 s7, $0x1;
	s4 =	sadd.s32 s5, s19  }
0x9d: {  	s8 =	simm.s32 $0x0;
	s20 =	sshll.u32 s6, $0x1;
	s6 =	sadd.s32 s21, s4  }
0x9e: {  	[timem:s8], [sflag:s22] =	dma.local [hbm:s6], s20  }
0x9f: {  	_ =	swait.ge [sflag:s22], s20  }
0xa0: {  	s5 =	ssub.s32 $0x0, s20;
	[sflag:s22] =	ssyncset.done $0x0  }
0xa1: {  	[sflag:s22] =	ssyncadd.s32 s5;
	_ =	sdelay $0x1  }
0xa2: {  	s23 =	simm.s32 $0x1B8B  }
0xa3: {  	_ =	swait.ge [sflag:s23], $0x1  }
0xa4: {  	[sflag:s23] =	ssyncset.done $0x0  }
0xa5: {  	s25 =	simm.s32 $0x1B8E;
	s24 =	sld [smem:$0x3FFE];
	[sflag:s23] =	ssyncadd.s32 $0xFFFFFFFF  }
0xa6: {  	s26 =	simm.s32 $execute0_lowered;
	[smem:$0x3FD2] =	sst s25  }
0xa7: {  	s6 =	sshll.u32 s26, $0x1;
	_ =	strace $0x80000046;
	[dreg:$0x1] =	wrdreg $0xFFFFFFFF  }
0xa8: {  	s28 =	simm.s32 $_size_execute0_lowered;
	s4 =	sadd.s32 s4, s6;
	[dreg:$0x0] =	wrdreg $0x0  }
0xa9: {  	s6 =	sshll.u32 s28, $0x1;
	[dreg:$0x2] =	wrdreg s4  }
0xaa: {  	[dreg:$0x3] =	wrdreg s6  }
0xab: {  	[dreg:$0x4] =	wrdreg $0xC0  }
0xac: {  	_ =	task [dreg:s8], $0x5FFFF  }
0xad: {  	[dreg:$0x1] =	wrdreg $0xFFFFFFFF  }
0xae: {  	[dreg:$0x0] =	wrdreg $0x60  }
0xaf: {  	[dreg:$0x2] =	wrdreg s18  }
0xb0: {  	[dreg:$0x3] =	wrdreg s2  }
0xb1: {  	[dreg:$0x4] =	wrdreg s24  }
0xb2: {  	[dreg:$0x5] =	wrdreg $0x9  }
0xb3: {  	_ =	task.clear_ibuf [dreg:s8], $0x6FFFF;
	_ =	strace $0x90000046  }
0xb4: {  	s29 =	simm.s32 $0x9;
	_ =	strace $0x80000048  }
0xb5: {  	_ =	swait.ge [sflag:s29], $0x1  }
0xb6: {  	[sflag:s29] =	ssyncadd.s32 $0xFFFFFFFF  }
0xb7: {  	_ =	strace $0x90000048  }
0xb8: {  	_ =	sfence  }
0xb9: {  	s30 =	sld [smem:$0x0];
	_ =	sdelay $0x2  }
0xba: {  	s31 =	sshll.u32 s1, $0xD;
	s1 =	sshrl.u32 s1, $0x2  }
0xbb: {  	s3 =	sand.u32 $0x4000, s31;
	s1 =	sadd.s32 s1, s30  }
0xbc: {  	s0 =	sor.u32 s3, s0;
	s1 =	sshll.u32 s1, $0x11  }
0xbd: {  	s0 =	sor.u32 s1, s0  }
0xbe: {  	s0 =	sadd.s32 $0x8F2B, s0  }
0xbf: {  	[sflag:s0] =	ssyncadd.remote.s32 $0x1  }
0xc0: {  	_ =	sfence.sel $0xFFFF  }
0xc1: {  	[dreg:$0x0] =	wrdreg $0xFFFFFFFF;
	(pc) =	sbr.abs _section_cstart, $3  }
0xc2: {  	[dreg:$0x1] =	wrdreg $0xFFFFFFFF  }
0xc3: {  	_ =	task.clear_ibuf [dreg:s8], $0x2FFFF;
	_ =	strace $0x9FFFFFFF  }
0xc4: {  	(tm) =	ssettm $0x7FFFFFFF  }
0xc5: {  	_ =	shalt  }
tec
execute0_lowered:
.L_overlay_start_1:
0x0: {  	(tag) =	ssettag $0x1  }
0x1: {  	s0 =	rddreg [dreg:$0x0]  }
0x2: {  	s2 =	rddreg [dreg:$0x1]  }
0x3: {  	s1 =	rddreg [dreg:$0x2]  }
0x4: {  	s4 =	srdreg.scid;
	s10 =	stileid.u32;
	s3 =	simm.s32 $0x0  }
0x5: {  	s16 =	simm.s32 $0x32;
	s18 =	simm.s32 $0x4000;
	s11 =	simm.s32 $0x2  }
0x6: {  	s12 =	simm.s32 $0xD;
	s14 =	simm.s32 $0x7;
	s17 =	simm.s32 $0xE  }
0x7: {  	s19 =	simm.s32 $0x8;
	s4 =	sand.u32 $0x1, s4;
	s5 =	sshll.u32 s10, $0x1  }
0x8: {  	s31 =	simm.s32 $0x9400;
	s24 =	smul.u32 $0x38000, s10;
	s5 =	sor.u32 s4, s5  }
0x9: {  	[smem:$0x7FF] =	sst s3;
	s1 =	sadd.s32 $0x400, s1;
	s7 =	smul.u32 $0xE0000, s5  }
0xa: {  	s6 =	ssub.s32 $0x2, s4;
	s9 =	smul.u32 $0x1C000, s5;
	s5 =	sshll.u32 s5, $0xB  }
0xb: {  	_ =	strace $0x80000047;
	s8 =	sshrl.u32 s6, $0x1;
	s0 =	sadd.s32 s0, s5  }
0xc: {  	s6 =	ssub.s32 s6, s8;
	[dreg:$0x4] =	wrdreg s0;
	s21 =	sadd.s32 s1, s9  }
0xd: {  	s7 =	sshrl.u32 s7, $0x3;
	s29 =	smax.u32 s6, $0x1;
	[dreg:$0x5] =	wrdreg s21  }
0xe: {  	s22 =	sadd.s32 s1, s7;
	s5 =	sadd.s32 $0x700, s21;
	[dreg:$0xd] =	wrdreg s29  }
0xf: {  	s4 =	smul.u32 $0x1C000, s4;
	[dreg:$0x6] =	wrdreg s5;
	s23 =	sadd.s32 $0x19600, s22  }
0x10: {  	s9 =	simm.s32 $0x1;
	s7 =	sadd.s32 $0x19D00, s22;
	[dreg:$0x7] =	wrdreg s23  }
0x11: {  	s1 =	sadd.s32 s24, s1;
	s25 =	sadd.s32 $0x1A400, s22;
	[dreg:$0x8] =	wrdreg s7  }
0x12: {  	s21 =	simm.s32 $0xF;
	s26 =	sadd.s32 $0x1AB00, s22;
	[dreg:$0x9] =	wrdreg s25  }
0x13: {  	s28 =	sadd.s32 $0x1B200, s22;
	s0 =	sadd.s32 $0x1B900, s22;
	[dreg:$0xa] =	wrdreg s26  }
0x14: {  	s30 =	sadd.s32 s4, s1;
	s22 =	simm.s32 $0x5C00;
	[dreg:$0xb] =	wrdreg s28  }
0x15: {  	s1 =	simm.s32 $0x0;
	[dreg:$0xc] =	wrdreg s0;
	s0 =	sadd.s32 $0x2300, s30  }
0x16: {  	s26 =	simm.s32 $0x7800;
	s23 =	simm.s32 $0x10;
	[dreg:$0xe] =	wrdreg s0  }
.LBB2_1:
0x17: {  	[dreg:$0xf] =	wrdreg s1  }
0x18: {  	s0 =	rddreg [dreg:$0x4];
	s4 =	simm.s32 $0x11  }
0x19: {  	[tilespmem:s3], [sflag:$0x11] =	stream.linear.gather [hbm4b:s0+s3], $0x4000, $0x38;
	v63 =	vld [tilespmem:$0x0]  }
0x1a: {  	_ =	swait.ge [sflag:s4], $0x4000  }
0x1b: {  	[sflag:s4] =	ssyncset.done $0x0  }
0x1c: {  	[sflag:s4] =	ssyncadd.s32 $0xFFFFC000  }
0x1d: {  	[tilespmem:s18], [sflag:$0x1] =	stream.indirect.gather [hbm4b:s2+s16], $0x80, s3, s16, $0xb8;
	v63 =	vld [tilespmem:$0x0]  }
0x1e: {  	s5 =	simm.s32 $0x80  }
0x1f: {  	[tilespmem:s22], [sflag:$0x1] =	stream.indirect.gather [hbm4b:s2+s16], $0x80, s5, s16, $0xb8;
	v63 =	vld [tilespmem:$0x0]  }
0x20: {  	s6 =	simm.s32 $0x100  }
0x21: {  	[tilespmem:s26], [sflag:$0x2] =	stream.indirect.gather [hbm4b:s2+s16], $0x80, s6, s16, $0xb8;
	v63 =	vld [tilespmem:$0x0]  }
0x22: {  	s7 =	simm.s32 $0x180;
	s28 =	simm.s32 $0x9400  }
0x23: {  	[tilespmem:s28], [sflag:$0x2] =	stream.indirect.gather [hbm4b:s2+s16], $0x80, s7, s16, $0xb8;
	v63 =	vld [tilespmem:$0x0]  }
0x24: {  	s8 =	simm.s32 $0x200;
	s20 =	simm.s32 $0xB000  }
0x25: {  	[tilespmem:s20], [sflag:$0x3] =	stream.indirect.gather [hbm4b:s2+s16], $0x80, s8, s16, $0xb8;
	v63 =	vld [tilespmem:$0x0]  }
0x26: {  	s10 =	simm.s32 $0x280;
	s29 =	simm.s32 $0xCC00  }
0x27: {  	[tilespmem:s29], [sflag:$0x3] =	stream.indirect.gather [hbm4b:s2+s16], $0x80, s10, s16, $0xb8;
	v63 =	vld [tilespmem:$0x0]  }
0x28: {  	s13 =	simm.s32 $0x300;
	s24 =	simm.s32 $0xE800  }
0x29: {  	[tilespmem:s24], [sflag:$0x4] =	stream.indirect.gather [hbm4b:s2+s16], $0x80, s13, s16, $0xb8;
	v63 =	vld [tilespmem:$0x0]  }
0x2a: {  	s15 =	simm.s32 $0x380;
	s4 =	simm.s32 $0x10400  }
0x2b: {  	[tilespmem:s4], [sflag:$0x4] =	stream.indirect.gather [hbm4b:s2+s16], $0x80, s15, s16, $0xb8;
	v63 =	vld [tilespmem:$0x0]  }
0x2c: {  	s25 =	simm.s32 $0x400;
	s1 =	simm.s32 $0x12000  }
0x2d: {  	[tilespmem:s1], [sflag:$0x5] =	stream.indirect.gather [hbm4b:s2+s16], $0x80, s25, s16, $0xb8;
	v63 =	vld [tilespmem:$0x0]  }
0x2e: {  	s5 =	simm.s32 $0x480;
	s13 =	simm.s32 $0x13C00  }
0x2f: {  	[tilespmem:s13], [sflag:$0x5] =	stream.indirect.gather [hbm4b:s2+s16], $0x80, s5, s16, $0xb8;
	v63 =	vld [tilespmem:$0x0]  }
0x30: {  	s6 =	simm.s32 $0x500;
	s15 =	simm.s32 $0x15800  }
0x31: {  	[tilespmem:s15], [sflag:$0x6] =	stream.indirect.gather [hbm4b:s2+s16], $0x80, s6, s16, $0xb8;
	v63 =	vld [tilespmem:$0x0]  }
0x32: {  	s7 =	simm.s32 $0x580;
	s6 =	simm.s32 $0x17400  }
0x33: {  	[tilespmem:s6], [sflag:$0x6] =	stream.indirect.gather [hbm4b:s2+s16], $0x80, s7, s16, $0xb8;
	v63 =	vld [tilespmem:$0x0]  }
0x34: {  	s8 =	simm.s32 $0x600;
	s7 =	simm.s32 $0x19000  }
0x35: {  	[tilespmem:s7], [sflag:$0x7] =	stream.indirect.gather [hbm4b:s2+s16], $0x80, s8, s16, $0xb8;
	v63 =	vld [tilespmem:$0x0]  }
0x36: {  	s10 =	simm.s32 $0x680;
	s8 =	simm.s32 $0x1AC00  }
0x37: {  	[tilespmem:s8], [sflag:$0x7] =	stream.indirect.gather [hbm4b:s2+s16], $0x80, s10, s16, $0xb8;
	v63 =	vld [tilespmem:$0x0]  }
0x38: {  	_ =	swait.ge [sflag:s9], $0x3200  }
0x39: {  	[sflag:s9] =	ssyncset.done $0x0  }
0x3a: {  	s25 =	rddreg [dreg:$0x5];
	[sflag:s9] =	ssyncadd.s32 $0xFFFFCE00  }
0x3b: {  	[hbm4b:s25+s3] =	stream.linear.scatter [tilespmem:s18], [sflag:$0x9], $0x1900, $0x38;
	v63 =	vld [tilespmem:$0x0]  }
0x3c: {  	s25 =	sadd.s32 $0x380, s25  }
0x3d: {  	[hbm4b:s25+s3] =	stream.linear.scatter [tilespmem:s22], [sflag:$0x9], $0x1900, $0x38;
	v63 =	vld [tilespmem:$0x0]  }
0x3e: {  	s30 =	simm.s32 $0x1C800;
	s5 =	simm.s32 $0x700  }
0x3f: {  	[tilespmem:s30], [sflag:$0x8] =	stream.indirect.gather [hbm4b:s2+s16], $0x80, s5, s16, $0xb8;
	v63 =	vld [tilespmem:$0x0]  }
0x40: {  	s10 =	simm.s32 $0x780;
	s5 =	simm.s32 $0x1E400  }
0x41: {  	[tilespmem:s5], [sflag:$0x8] =	stream.indirect.gather [hbm4b:s2+s16], $0x80, s10, s16, $0xb8;
	v63 =	vld [tilespmem:$0x0]  }
0x42: {  	_ =	swait.ge [sflag:s11], $0x3200  }
0x43: {  	[sflag:s11] =	ssyncset.done $0x0  }
0x44: {  	s25 =	rddreg [dreg:$0x6];
	[sflag:s11] =	ssyncadd.s32 $0xFFFFCE00  }
0x45: {  	[hbm4b:s25+s3] =	stream.linear.scatter [tilespmem:s26], [sflag:$0xA], $0x1900, $0x38;
	v63 =	vld [tilespmem:$0x0]  }
0x46: {  	s10 =	sadd.s32 $0x380, s25;
	s25 =	simm.s32 $0x9  }
0x47: {  	[hbm4b:s10+s3] =	stream.linear.scatter [tilespmem:s28], [sflag:$0xA], $0x1900, $0x38;
	v63 =	vld [tilespmem:$0x0]  }
0x48: {  	_ =	swait.ge [sflag:s25], $0x3200  }
0x49: {  	[sflag:s25] =	ssyncset.done $0x0  }
0x4a: {  	s0 =	simm.s32 $0x800;
	[sflag:s25] =	ssyncadd.s32 $0xFFFFCE00  }
0x4b: {  	[tilespmem:s18], [sflag:$0x1] =	stream.indirect.gather [hbm4b:s2+s16], $0x80, s0, s16, $0xb8;
	v63 =	vld [tilespmem:$0x0]  }
0x4c: {  	s10 =	simm.s32 $0x880;
	s25 =	simm.s32 $0x3  }
0x4d: {  	[tilespmem:s22], [sflag:$0x1] =	stream.indirect.gather [hbm4b:s2+s16], $0x80, s10, s16, $0xb8;
	v63 =	vld [tilespmem:$0x0]  }
0x4e: {  	_ =	swait.ge [sflag:s25], $0x3200  }
0x4f: {  	[sflag:s25] =	ssyncset.done $0x0;
	s0 =	rddreg [dreg:$0xe]  }
0x50: {  	[sflag:s25] =	ssyncadd.s32 $0xFFFFCE00;
	s10 =	sadd.s32 $0xFFFFEB00, s0  }
0x51: {  	[hbm4b:s10+s3] =	stream.linear.scatter [tilespmem:s20], [sflag:$0xB], $0x1900, $0x38;
	v63 =	vld [tilespmem:$0x0]  }
0x52: {  	s10 =	sadd.s32 $0xFFFFEE80, s0  }
0x53: {  	[hbm4b:s10+s3] =	stream.linear.scatter [tilespmem:s29], [sflag:$0xB], $0x1900, $0x38;
	v63 =	vld [tilespmem:$0x0]  }
0x54: {  	s10 =	simm.s32 $0xA  }
0x55: {  	_ =	swait.ge [sflag:s10], $0x3200  }
0x56: {  	[sflag:s10] =	ssyncset.done $0x0  }
0x57: {  	[sflag:s10] =	ssyncadd.s32 $0xFFFFCE00;
	s10 =	simm.s32 $0x900  }
0x58: {  	[tilespmem:s26], [sflag:$0x2] =	stream.indirect.gather [hbm4b:s2+s16], $0x80, s10, s16, $0xb8;
	v63 =	vld [tilespmem:$0x0]  }
0x59: {  	s25 =	simm.s32 $0x4;
	s10 =	simm.s32 $0x980  }
0x5a: {  	[tilespmem:s28], [sflag:$0x2] =	stream.indirect.gather [hbm4b:s2+s16], $0x80, s10, s16, $0xb8;
	v63 =	vld [tilespmem:$0x0]  }
0x5b: {  	_ =	swait.ge [sflag:s25], $0x3200  }
0x5c: {  	[sflag:s25] =	ssyncset.done $0x0  }
0x5d: {  	s10 =	sadd.s32 $0xFFFFF200, s0;
	[sflag:s25] =	ssyncadd.s32 $0xFFFFCE00  }
0x5e: {  	[hbm4b:s10+s3] =	stream.linear.scatter [tilespmem:s24], [sflag:$0xC], $0x1900, $0x38;
	v63 =	vld [tilespmem:$0x0]  }
0x5f: {  	s25 =	simm.s32 $0xB;
	s10 =	sadd.s32 $0xFFFFF580, s0  }
0x60: {  	[hbm4b:s10+s3] =	stream.linear.scatter [tilespmem:s4], [sflag:$0xC], $0x1900, $0x38;
	v63 =	vld [tilespmem:$0x0]  }
0x61: {  	_ =	swait.ge [sflag:s25], $0x3200  }
0x62: {  	[sflag:s25] =	ssyncset.done $0x0  }
0x63: {  	s10 =	simm.s32 $0xA00;
	[sflag:s25] =	ssyncadd.s32 $0xFFFFCE00  }
0x64: {  	[tilespmem:s20], [sflag:$0x3] =	stream.indirect.gather [hbm4b:s2+s16], $0x80, s10, s16, $0xb8;
	v63 =	vld [tilespmem:$0x0]  }
0x65: {  	s20 =	simm.s32 $0xA80  }
0x66: {  	[tilespmem:s29], [sflag:$0x3] =	stream.indirect.gather [hbm4b:s2+s16], $0x80, s20, s16, $0xb8;
	v63 =	vld [tilespmem:$0x0]  }
0x67: {  	s29 =	simm.s32 $0x5  }
0x68: {  	_ =	swait.ge [sflag:s29], $0x3200  }
0x69: {  	[sflag:s29] =	ssyncset.done $0x0  }
0x6a: {  	s10 =	sadd.s32 $0xFFFFF900, s0;
	[sflag:s29] =	ssyncadd.s32 $0xFFFFCE00  }
0x6b: {  	[hbm4b:s10+s3] =	stream.linear.scatter [tilespmem:s1], [sflag:$0xD], $0x1900, $0x38;
	v63 =	vld [tilespmem:$0x0]  }
0x6c: {  	s20 =	sadd.s32 $0xFFFFFC80, s0;
	s29 =	simm.s32 $0xC  }
0x6d: {  	[hbm4b:s20+s3] =	stream.linear.scatter [tilespmem:s13], [sflag:$0xD], $0x1900, $0x38;
	v63 =	vld [tilespmem:$0x0]  }
0x6e: {  	_ =	swait.ge [sflag:s29], $0x3200  }
0x6f: {  	[sflag:s29] =	ssyncset.done $0x0  }
0x70: {  	s20 =	simm.s32 $0xB00;
	[sflag:s29] =	ssyncadd.s32 $0xFFFFCE00  }
0x71: {  	[tilespmem:s24], [sflag:$0x4] =	stream.indirect.gather [hbm4b:s2+s16], $0x80, s20, s16, $0xb8;
	v63 =	vld [tilespmem:$0x0]  }
0x72: {  	s25 =	simm.s32 $0x6;
	s24 =	simm.s32 $0xB80  }
0x73: {  	[tilespmem:s4], [sflag:$0x4] =	stream.indirect.gather [hbm4b:s2+s16], $0x80, s24, s16, $0xb8;
	v63 =	vld [tilespmem:$0x0]  }
0x74: {  	_ =	swait.ge [sflag:s25], $0x3200  }
0x75: {  	[sflag:s25] =	ssyncset.done $0x0  }
0x76: {  	[sflag:s25] =	ssyncadd.s32 $0xFFFFCE00  }
0x77: {  	[hbm4b:s0+s3] =	stream.linear.scatter [tilespmem:s15], [sflag:$0xE], $0x1900, $0x38;
	v63 =	vld [tilespmem:$0x0]  }
0x78: {  	s29 =	sadd.s32 $0x380, s0  }
0x79: {  	[hbm4b:s29+s3] =	stream.linear.scatter [tilespmem:s6], [sflag:$0xE], $0x1900, $0x38;
	v63 =	vld [tilespmem:$0x0]  }
0x7a: {  	_ =	swait.ge [sflag:s12], $0x3200  }
0x7b: {  	[sflag:s12] =	ssyncset.done $0x0  }
0x7c: {  	s4 =	simm.s32 $0xC00;
	[sflag:s12] =	ssyncadd.s32 $0xFFFFCE00  }
0x7d: {  	[tilespmem:s1], [sflag:$0x5] =	stream.indirect.gather [hbm4b:s2+s16], $0x80, s4, s16, $0xb8;
	v63 =	vld [tilespmem:$0x0]  }
0x7e: {  	s10 =	simm.s32 $0xC80  }
0x7f: {  	[tilespmem:s13], [sflag:$0x5] =	stream.indirect.gather [hbm4b:s2+s16], $0x80, s10, s16, $0xb8;
	v63 =	vld [tilespmem:$0x0]  }
0x80: {  	_ =	swait.ge [sflag:s14], $0x3200  }
0x81: {  	[sflag:s14] =	ssyncset.done $0x0  }
0x82: {  	s20 =	sadd.s32 $0x700, s0;
	[sflag:s14] =	ssyncadd.s32 $0xFFFFCE00  }
0x83: {  	[hbm4b:s20+s3] =	stream.linear.scatter [tilespmem:s7], [sflag:$0xF], $0x1900, $0x38;
	v63 =	vld [tilespmem:$0x0]  }
0x84: {  	s24 =	sadd.s32 $0xA80, s0  }
0x85: {  	[hbm4b:s24+s3] =	stream.linear.scatter [tilespmem:s8], [sflag:$0xF], $0x1900, $0x38;
	v63 =	vld [tilespmem:$0x0]  }
0x86: {  	_ =	swait.ge [sflag:s17], $0x3200  }
0x87: {  	[sflag:s17] =	ssyncset.done $0x0  }
0x88: {  	s29 =	simm.s32 $0xD00;
	[sflag:s17] =	ssyncadd.s32 $0xFFFFCE00  }
0x89: {  	[tilespmem:s15], [sflag:$0x6] =	stream.indirect.gather [hbm4b:s2+s16], $0x80, s29, s16, $0xb8;
	v63 =	vld [tilespmem:$0x0]  }
0x8a: {  	s1 =	simm.s32 $0xD80  }
0x8b: {  	[tilespmem:s6], [sflag:$0x6] =	stream.indirect.gather [hbm4b:s2+s16], $0x80, s1, s16, $0xb8;
	v63 =	vld [tilespmem:$0x0]  }
0x8c: {  	_ =	swait.ge [sflag:s19], $0x3200  }
0x8d: {  	[sflag:s19] =	ssyncset.done $0x0  }
0x8e: {  	s4 =	sadd.s32 $0xE00, s0;
	[sflag:s19] =	ssyncadd.s32 $0xFFFFCE00  }
0x8f: {  	[hbm4b:s4+s3] =	stream.linear.scatter [tilespmem:s30], [sflag:$0x10], $0x1900, $0x38;
	v63 =	vld [tilespmem:$0x0]  }
0x90: {  	s6 =	sadd.s32 $0x1180, s0  }
0x91: {  	[hbm4b:s6+s3] =	stream.linear.scatter [tilespmem:s5], [sflag:$0x10], $0x1900, $0x38;
	v63 =	vld [tilespmem:$0x0]  }
0x92: {  	_ =	swait.ge [sflag:s21], $0x3200  }
0x93: {  	[sflag:s21] =	ssyncset.done $0x0  }
0x94: {  	s10 =	simm.s32 $0xE00;
	[sflag:s21] =	ssyncadd.s32 $0xFFFFCE00  }
0x95: {  	[tilespmem:s7], [sflag:$0x7] =	stream.indirect.gather [hbm4b:s2+s16], $0x80, s10, s16, $0xb8;
	v63 =	vld [tilespmem:$0x0]  }
0x96: {  	s13 =	simm.s32 $0xE80  }
0x97: {  	[tilespmem:s8], [sflag:$0x7] =	stream.indirect.gather [hbm4b:s2+s16], $0x80, s13, s16, $0xb8;
	v63 =	vld [tilespmem:$0x0]  }
0x98: {  	_ =	swait.ge [sflag:s9], $0x3200  }
0x99: {  	[sflag:s9] =	ssyncset.done $0x0  }
0x9a: {  	s15 =	sadd.s32 $0x1500, s0;
	[sflag:s9] =	ssyncadd.s32 $0xFFFFCE00  }
0x9b: {  	[hbm4b:s15+s3] =	stream.linear.scatter [tilespmem:s18], [sflag:$0x9], $0x1900, $0x38;
	v63 =	vld [tilespmem:$0x0]  }
0x9c: {  	s20 =	sadd.s32 $0x1880, s0  }
0x9d: {  	[hbm4b:s20+s3] =	stream.linear.scatter [tilespmem:s22], [sflag:$0x9], $0x1900, $0x38;
	v63 =	vld [tilespmem:$0x0]  }
0x9e: {  	_ =	swait.ge [sflag:s23], $0x3200  }
0x9f: {  	[sflag:s23] =	ssyncset.done $0x0  }
0xa0: {  	s22 =	simm.s32 $0xF00;
	[sflag:s23] =	ssyncadd.s32 $0xFFFFCE00  }
0xa1: {  	[tilespmem:s30], [sflag:$0x8] =	stream.indirect.gather [hbm4b:s2+s16], $0x80, s22, s16, $0xb8;
	v63 =	vld [tilespmem:$0x0]  }
0xa2: {  	s24 =	simm.s32 $0xF80  }
0xa3: {  	[tilespmem:s5], [sflag:$0x8] =	stream.indirect.gather [hbm4b:s2+s16], $0x80, s24, s16, $0xb8;
	v63 =	vld [tilespmem:$0x0]  }
0xa4: {  	_ =	swait.ge [sflag:s11], $0x3200  }
0xa5: {  	s28 =	sadd.s32 $0x3800, s0;
	s25 =	simm.s32 $0x2000;
	[sflag:s11] =	ssyncset.done $0x0  }
0xa6: {  	s29 =	sadd.s32 $0x1C00, s0;
	s18 =	simm.s32 $0x4000;
	[sflag:s11] =	ssyncadd.s32 $0xFFFFCE00  }
0xa7: {  	[hbm4b:s29+s3] =	stream.linear.scatter [tilespmem:s26], [sflag:$0xA], $0x1900, $0x38;
	v63 =	vld [tilespmem:$0x0]  }
0xa8: {  	s30 =	sadd.s32 $0x1F80, s0;
	s22 =	simm.s32 $0x5C00;
	s26 =	simm.s32 $0x7800  }
.LBB2_2:
0xa9: {  	s20 =	simm.s32 $0x9400  }
0xaa: {  	[hbm4b:s30+s3] =	stream.linear.scatter [tilespmem:s20], [sflag:$0xA], $0x1900, $0x38;
	v63 =	vld [tilespmem:$0x0]  }
0xab: {  	s0 =	simm.s32 $0x9;
	s30 =	smov.u32 s25  }
0xac: {  	p0 =	sne.s32 s25, $0xC000;
	s25 =	sadd.s32 $0x2000, s25;
	_ =	swait.ge [sflag:s0], $0x3200  }
0xad: {  	s30 =	sshra.s32 s30, $0x2;
	[sflag:s0] =	ssyncset.done $0x0  }
0xae: {  	[sflag:s0] =	ssyncadd.s32 $0xFFFFCE00;
	s0 =	sadd.s32 $0x800, s30  }
0xaf: {  	[tilespmem:s18], [sflag:$0x1] =	stream.indirect.gather [hbm4b:s2+s16], $0x80, s0, s16, $0xb8;
	v63 =	vld [tilespmem:$0x0]  }
0xb0: {  	s0 =	sadd.s32 $0x880, s30  }
0xb1: {  	[tilespmem:s22], [sflag:$0x1] =	stream.indirect.gather [hbm4b:s2+s16], $0x80, s0, s16, $0xb8;
	v63 =	vld [tilespmem:$0x0]  }
0xb2: {  	s0 =	simm.s32 $0x3  }
0xb3: {  	_ =	swait.ge [sflag:s0], $0x3200  }
0xb4: {  	[sflag:s0] =	ssyncset.done $0x0  }
0xb5: {  	s29 =	simm.s32 $0xB000;
	[sflag:s0] =	ssyncadd.s32 $0xFFFFCE00;
	s0 =	sadd.s32 $0xFFFFEB00, s28  }
0xb6: {  	[hbm4b:s0+s3] =	stream.linear.scatter [tilespmem:s29], [sflag:$0xB], $0x1900, $0x38;
	v63 =	vld [tilespmem:$0x0]  }
0xb7: {  	s24 =	simm.s32 $0xCC00;
	s0 =	sadd.s32 $0xFFFFEE80, s28  }
0xb8: {  	[hbm4b:s0+s3] =	stream.linear.scatter [tilespmem:s24], [sflag:$0xB], $0x1900, $0x38;
	v63 =	vld [tilespmem:$0x0]  }
0xb9: {  	s0 =	simm.s32 $0xA  }
0xba: {  	_ =	swait.ge [sflag:s0], $0x3200  }
0xbb: {  	[sflag:s0] =	ssyncset.done $0x0  }
0xbc: {  	[sflag:s0] =	ssyncadd.s32 $0xFFFFCE00;
	s0 =	sadd.s32 $0x900, s30  }
0xbd: {  	[tilespmem:s26], [sflag:$0x2] =	stream.indirect.gather [hbm4b:s2+s16], $0x80, s0, s16, $0xb8;
	v63 =	vld [tilespmem:$0x0]  }
0xbe: {  	s0 =	sadd.s32 $0x980, s30  }
0xbf: {  	[tilespmem:s20], [sflag:$0x2] =	stream.indirect.gather [hbm4b:s2+s16], $0x80, s0, s16, $0xb8;
	v63 =	vld [tilespmem:$0x0]  }
0xc0: {  	s0 =	simm.s32 $0x4  }
0xc1: {  	_ =	swait.ge [sflag:s0], $0x3200  }
0xc2: {  	[sflag:s0] =	ssyncset.done $0x0  }
0xc3: {  	s4 =	simm.s32 $0xE800;
	[sflag:s0] =	ssyncadd.s32 $0xFFFFCE00;
	s0 =	sadd.s32 $0xFFFFF200, s28  }
0xc4: {  	[hbm4b:s0+s3] =	stream.linear.scatter [tilespmem:s4], [sflag:$0xC], $0x1900, $0x38;
	v63 =	vld [tilespmem:$0x0]  }
0xc5: {  	s1 =	simm.s32 $0x10400;
	s0 =	sadd.s32 $0xFFFFF580, s28  }
0xc6: {  	[hbm4b:s0+s3] =	stream.linear.scatter [tilespmem:s1], [sflag:$0xC], $0x1900, $0x38;
	v63 =	vld [tilespmem:$0x0]  }
0xc7: {  	s0 =	simm.s32 $0xB  }
0xc8: {  	_ =	swait.ge [sflag:s0], $0x3200  }
0xc9: {  	[sflag:s0] =	ssyncset.done $0x0  }
0xca: {  	s20 =	simm.s32 $0xB000;
	[sflag:s0] =	ssyncadd.s32 $0xFFFFCE00;
	s0 =	sadd.s32 $0xA00, s30  }
0xcb: {  	[tilespmem:s29], [sflag:$0x3] =	stream.indirect.gather [hbm4b:s2+s16], $0x80, s0, s16, $0xb8;
	v63 =	vld [tilespmem:$0x0]  }
0xcc: {  	s0 =	sadd.s32 $0xA80, s30  }
0xcd: {  	[tilespmem:s24], [sflag:$0x3] =	stream.indirect.gather [hbm4b:s2+s16], $0x80, s0, s16, $0xb8;
	v63 =	vld [tilespmem:$0x0]  }
0xce: {  	s29 =	simm.s32 $0xCC00;
	s0 =	simm.s32 $0x5  }
0xcf: {  	_ =	swait.ge [sflag:s0], $0x3200  }
0xd0: {  	[sflag:s0] =	ssyncset.done $0x0  }
0xd1: {  	s13 =	simm.s32 $0x12000;
	[sflag:s0] =	ssyncadd.s32 $0xFFFFCE00;
	s0 =	sadd.s32 $0xFFFFF900, s28  }
0xd2: {  	[hbm4b:s0+s3] =	stream.linear.scatter [tilespmem:s13], [sflag:$0xD], $0x1900, $0x38;
	v63 =	vld [tilespmem:$0x0]  }
0xd3: {  	s15 =	simm.s32 $0x13C00;
	s0 =	sadd.s32 $0xFFFFFC80, s28  }
0xd4: {  	[hbm4b:s0+s3] =	stream.linear.scatter [tilespmem:s15], [sflag:$0xD], $0x1900, $0x38;
	v63 =	vld [tilespmem:$0x0]  }
0xd5: {  	s0 =	simm.s32 $0xC  }
0xd6: {  	_ =	swait.ge [sflag:s0], $0x3200  }
0xd7: {  	[sflag:s0] =	ssyncset.done $0x0  }
0xd8: {  	s24 =	simm.s32 $0xE800;
	[sflag:s0] =	ssyncadd.s32 $0xFFFFCE00;
	s0 =	sadd.s32 $0xB00, s30  }
0xd9: {  	[tilespmem:s4], [sflag:$0x4] =	stream.indirect.gather [hbm4b:s2+s16], $0x80, s0, s16, $0xb8;
	v63 =	vld [tilespmem:$0x0]  }
0xda: {  	s0 =	sadd.s32 $0xB80, s30  }
0xdb: {  	[tilespmem:s1], [sflag:$0x4] =	stream.indirect.gather [hbm4b:s2+s16], $0x80, s0, s16, $0xb8;
	v63 =	vld [tilespmem:$0x0]  }
0xdc: {  	s4 =	simm.s32 $0x10400;
	s0 =	simm.s32 $0x6  }
0xdd: {  	_ =	swait.ge [sflag:s0], $0x3200  }
0xde: {  	[sflag:s0] =	ssyncset.done $0x0  }
0xdf: {  	s6 =	simm.s32 $0x15800;
	[sflag:s0] =	ssyncadd.s32 $0xFFFFCE00  }
0xe0: {  	[hbm4b:s28+s3] =	stream.linear.scatter [tilespmem:s6], [sflag:$0xE], $0x1900, $0x38;
	v63 =	vld [tilespmem:$0x0]  }
0xe1: {  	s7 =	simm.s32 $0x17400;
	s0 =	sadd.s32 $0x380, s28  }
0xe2: {  	[hbm4b:s0+s3] =	stream.linear.scatter [tilespmem:s7], [sflag:$0xE], $0x1900, $0x38;
	v63 =	vld [tilespmem:$0x0]  }
0xe3: {  	_ =	swait.ge [sflag:s12], $0x3200  }
0xe4: {  	[sflag:s12] =	ssyncset.done $0x0  }
0xe5: {  	s1 =	simm.s32 $0x12000;
	s0 =	sadd.s32 $0xC00, s30;
	[sflag:s12] =	ssyncadd.s32 $0xFFFFCE00  }
0xe6: {  	[tilespmem:s13], [sflag:$0x5] =	stream.indirect.gather [hbm4b:s2+s16], $0x80, s0, s16, $0xb8;
	v63 =	vld [tilespmem:$0x0]  }
0xe7: {  	s0 =	sadd.s32 $0xC80, s30;
	s13 =	simm.s32 $0x13C00  }
0xe8: {  	[tilespmem:s15], [sflag:$0x5] =	stream.indirect.gather [hbm4b:s2+s16], $0x80, s0, s16, $0xb8;
	v63 =	vld [tilespmem:$0x0]  }
0xe9: {  	_ =	swait.ge [sflag:s14], $0x3200  }
0xea: {  	[sflag:s14] =	ssyncset.done $0x0  }
0xeb: {  	s8 =	simm.s32 $0x19000;
	s0 =	sadd.s32 $0x700, s28;
	[sflag:s14] =	ssyncadd.s32 $0xFFFFCE00  }
0xec: {  	[hbm4b:s0+s3] =	stream.linear.scatter [tilespmem:s8], [sflag:$0xF], $0x1900, $0x38;
	v63 =	vld [tilespmem:$0x0]  }
0xed: {  	s9 =	simm.s32 $0x1AC00;
	s0 =	sadd.s32 $0xA80, s28  }
0xee: {  	[hbm4b:s0+s3] =	stream.linear.scatter [tilespmem:s9], [sflag:$0xF], $0x1900, $0x38;
	v63 =	vld [tilespmem:$0x0]  }
0xef: {  	_ =	swait.ge [sflag:s17], $0x3200  }
0xf0: {  	[sflag:s17] =	ssyncset.done $0x0  }
0xf1: {  	s15 =	simm.s32 $0x15800;
	s0 =	sadd.s32 $0xD00, s30;
	[sflag:s17] =	ssyncadd.s32 $0xFFFFCE00  }
0xf2: {  	[tilespmem:s6], [sflag:$0x6] =	stream.indirect.gather [hbm4b:s2+s16], $0x80, s0, s16, $0xb8;
	v63 =	vld [tilespmem:$0x0]  }
0xf3: {  	s0 =	sadd.s32 $0xD80, s30;
	s6 =	simm.s32 $0x17400  }
0xf4: {  	[tilespmem:s7], [sflag:$0x6] =	stream.indirect.gather [hbm4b:s2+s16], $0x80, s0, s16, $0xb8;
	v63 =	vld [tilespmem:$0x0]  }
0xf5: {  	_ =	swait.ge [sflag:s19], $0x3200  }
0xf6: {  	[sflag:s19] =	ssyncset.done $0x0  }
0xf7: {  	s10 =	simm.s32 $0x1C800;
	s0 =	sadd.s32 $0xE00, s28;
	[sflag:s19] =	ssyncadd.s32 $0xFFFFCE00  }
0xf8: {  	[hbm4b:s0+s3] =	stream.linear.scatter [tilespmem:s10], [sflag:$0x10], $0x1900, $0x38;
	v63 =	vld [tilespmem:$0x0]  }
0xf9: {  	s11 =	simm.s32 $0x1E400;
	s0 =	sadd.s32 $0x1180, s28  }
0xfa: {  	[hbm4b:s0+s3] =	stream.linear.scatter [tilespmem:s11], [sflag:$0x10], $0x1900, $0x38;
	v63 =	vld [tilespmem:$0x0]  }
0xfb: {  	_ =	swait.ge [sflag:s21], $0x3200  }
0xfc: {  	[sflag:s21] =	ssyncset.done $0x0  }
0xfd: {  	s7 =	simm.s32 $0x19000;
	s0 =	sadd.s32 $0xE00, s30;
	[sflag:s21] =	ssyncadd.s32 $0xFFFFCE00  }
0xfe: {  	[tilespmem:s8], [sflag:$0x7] =	stream.indirect.gather [hbm4b:s2+s16], $0x80, s0, s16, $0xb8;
	v63 =	vld [tilespmem:$0x0]  }
0xff: {  	s0 =	sadd.s32 $0xE80, s30  }
0x100: {  	[tilespmem:s9], [sflag:$0x7] =	stream.indirect.gather [hbm4b:s2+s16], $0x80, s0, s16, $0xb8;
	v63 =	vld [tilespmem:$0x0]  }
0x101: {  	s8 =	simm.s32 $0x1AC00;
	s9 =	simm.s32 $0x1  }
0x102: {  	_ =	swait.ge [sflag:s9], $0x3200  }
0x103: {  	[sflag:s9] =	ssyncset.done $0x0  }
0x104: {  	s0 =	sadd.s32 $0x1500, s28;
	[sflag:s9] =	ssyncadd.s32 $0xFFFFCE00  }
0x105: {  	[hbm4b:s0+s3] =	stream.linear.scatter [tilespmem:s18], [sflag:$0x9], $0x1900, $0x38;
	v63 =	vld [tilespmem:$0x0]  }
0x106: {  	s0 =	sadd.s32 $0x1880, s28  }
0x107: {  	[hbm4b:s0+s3] =	stream.linear.scatter [tilespmem:s22], [sflag:$0x9], $0x1900, $0x38;
	v63 =	vld [tilespmem:$0x0]  }
0x108: {  	_ =	swait.ge [sflag:s23], $0x3200  }
0x109: {  	[sflag:s23] =	ssyncset.done $0x0  }
0x10a: {  	s5 =	simm.s32 $0x1C800;
	s0 =	sadd.s32 $0xF00, s30;
	[sflag:s23] =	ssyncadd.s32 $0xFFFFCE00  }
0x10b: {  	[tilespmem:s10], [sflag:$0x8] =	stream.indirect.gather [hbm4b:s2+s16], $0x80, s0, s16, $0xb8;
	v63 =	vld [tilespmem:$0x0]  }
0x10c: {  	s0 =	sadd.s32 $0xF80, s30  }
0x10d: {  	[tilespmem:s11], [sflag:$0x8] =	stream.indirect.gather [hbm4b:s2+s16], $0x80, s0, s16, $0xb8;
	v63 =	vld [tilespmem:$0x0]  }
0x10e: {  	s10 =	simm.s32 $0x1E400;
	s11 =	simm.s32 $0x2  }
.Ltmp0:
0x10f: {  	_ =	swait.ge [sflag:s11], $0x3200;
	(pc) =	sbr.rel @p0 .LBB2_2-.Ltmp0, $4  }
0x110: {  	[sflag:s11] =	ssyncset.done $0x0  }
0x111: {  	s0 =	sadd.s32 $0x1C00, s28;
	[sflag:s11] =	ssyncadd.s32 $0xFFFFCE00  }
0x112: {  	[hbm4b:s0+s3] =	stream.linear.scatter [tilespmem:s26], [sflag:$0xA], $0x1900, $0x38;
	v63 =	vld [tilespmem:$0x0]  }
0x113: {  	s30 =	sadd.s32 $0x1F80, s28;
	s28 =	sadd.s32 $0x3800, s28  }
0x114: {  	[hbm4b:s30+s3] =	stream.linear.scatter [tilespmem:s31], [sflag:$0xA], $0x1900, $0x38;
	v63 =	vld [tilespmem:$0x0]  }
0x115: {  	s0 =	simm.s32 $0x9  }
0x116: {  	_ =	swait.ge [sflag:s0], $0x3200  }
0x117: {  	[sflag:s0] =	ssyncset.done $0x0  }
0x118: {  	s25 =	simm.s32 $0x3;
	[sflag:s0] =	ssyncadd.s32 $0xFFFFCE00  }
0x119: {  	_ =	swait.ge [sflag:s25], $0x3200  }
0x11a: {  	[sflag:s25] =	ssyncset.done $0x0  }
0x11b: {  	s26 =	rddreg [dreg:$0x7];
	[sflag:s25] =	ssyncadd.s32 $0xFFFFCE00  }
0x11c: {  	[hbm4b:s26+s3] =	stream.linear.scatter [tilespmem:s20], [sflag:$0xB], $0x1900, $0x38;
	v63 =	vld [tilespmem:$0x0]  }
0x11d: {  	s28 =	simm.s32 $0xA;
	s0 =	sadd.s32 $0x380, s26  }
0x11e: {  	[hbm4b:s0+s3] =	stream.linear.scatter [tilespmem:s29], [sflag:$0xB], $0x1900, $0x38;
	v63 =	vld [tilespmem:$0x0]  }
0x11f: {  	_ =	swait.ge [sflag:s28], $0x3200  }
0x120: {  	[sflag:s28] =	ssyncset.done $0x0  }
0x121: {  	s29 =	simm.s32 $0x4;
	[sflag:s28] =	ssyncadd.s32 $0xFFFFCE00  }
0x122: {  	_ =	swait.ge [sflag:s29], $0x3200  }
0x123: {  	[sflag:s29] =	ssyncset.done $0x0  }
0x124: {  	s30 =	rddreg [dreg:$0x8];
	[sflag:s29] =	ssyncadd.s32 $0xFFFFCE00  }
0x125: {  	[hbm4b:s30+s3] =	stream.linear.scatter [tilespmem:s24], [sflag:$0xC], $0x1900, $0x38;
	v63 =	vld [tilespmem:$0x0]  }
0x126: {  	s0 =	sadd.s32 $0x380, s30  }
0x127: {  	[hbm4b:s0+s3] =	stream.linear.scatter [tilespmem:s4], [sflag:$0xC], $0x1900, $0x38;
	v63 =	vld [tilespmem:$0x0]  }
0x128: {  	s4 =	simm.s32 $0xB  }
0x129: {  	_ =	swait.ge [sflag:s4], $0x3200  }
0x12a: {  	[sflag:s4] =	ssyncset.done $0x0  }
0x12b: {  	s18 =	simm.s32 $0x5;
	[sflag:s4] =	ssyncadd.s32 $0xFFFFCE00  }
0x12c: {  	_ =	swait.ge [sflag:s18], $0x3200  }
0x12d: {  	[sflag:s18] =	ssyncset.done $0x0  }
0x12e: {  	s20 =	rddreg [dreg:$0x9];
	[sflag:s18] =	ssyncadd.s32 $0xFFFFCE00  }
0x12f: {  	[hbm4b:s20+s3] =	stream.linear.scatter [tilespmem:s1], [sflag:$0xD], $0x1900, $0x38;
	v63 =	vld [tilespmem:$0x0]  }
0x130: {  	s22 =	simm.s32 $0xC;
	s0 =	sadd.s32 $0x380, s20  }
0x131: {  	[hbm4b:s0+s3] =	stream.linear.scatter [tilespmem:s13], [sflag:$0xD], $0x1900, $0x38;
	v63 =	vld [tilespmem:$0x0]  }
0x132: {  	_ =	swait.ge [sflag:s22], $0x3200  }
0x133: {  	[sflag:s22] =	ssyncset.done $0x0  }
0x134: {  	s24 =	simm.s32 $0x6;
	[sflag:s22] =	ssyncadd.s32 $0xFFFFCE00  }
0x135: {  	_ =	swait.ge [sflag:s24], $0x3200  }
0x136: {  	[sflag:s24] =	ssyncset.done $0x0  }
0x137: {  	s25 =	rddreg [dreg:$0xa];
	[sflag:s24] =	ssyncadd.s32 $0xFFFFCE00  }
0x138: {  	[hbm4b:s25+s3] =	stream.linear.scatter [tilespmem:s15], [sflag:$0xE], $0x1900, $0x38;
	v63 =	vld [tilespmem:$0x0]  }
0x139: {  	s0 =	sadd.s32 $0x380, s25  }
0x13a: {  	[hbm4b:s0+s3] =	stream.linear.scatter [tilespmem:s6], [sflag:$0xE], $0x1900, $0x38;
	v63 =	vld [tilespmem:$0x0]  }
0x13b: {  	_ =	swait.ge [sflag:s12], $0x3200  }
0x13c: {  	[sflag:s12] =	ssyncset.done $0x0  }
0x13d: {  	[sflag:s12] =	ssyncadd.s32 $0xFFFFCE00  }
0x13e: {  	_ =	swait.ge [sflag:s14], $0x3200  }
0x13f: {  	[sflag:s14] =	ssyncset.done $0x0  }
0x140: {  	s26 =	rddreg [dreg:$0xb];
	[sflag:s14] =	ssyncadd.s32 $0xFFFFCE00  }
0x141: {  	[hbm4b:s26+s3] =	stream.linear.scatter [tilespmem:s7], [sflag:$0xF], $0x1900, $0x38;
	v63 =	vld [tilespmem:$0x0]  }
0x142: {  	s0 =	sadd.s32 $0x380, s26  }
0x143: {  	[hbm4b:s0+s3] =	stream.linear.scatter [tilespmem:s8], [sflag:$0xF], $0x1900, $0x38;
	v63 =	vld [tilespmem:$0x0]  }
0x144: {  	_ =	swait.ge [sflag:s17], $0x3200  }
0x145: {  	[sflag:s17] =	ssyncset.done $0x0  }
0x146: {  	[sflag:s17] =	ssyncadd.s32 $0xFFFFCE00  }
0x147: {  	_ =	swait.ge [sflag:s19], $0x3200  }
0x148: {  	[sflag:s19] =	ssyncset.done $0x0  }
0x149: {  	s28 =	rddreg [dreg:$0xc];
	[sflag:s19] =	ssyncadd.s32 $0xFFFFCE00  }
0x14a: {  	[hbm4b:s28+s3] =	stream.linear.scatter [tilespmem:s5], [sflag:$0x10], $0x1900, $0x38;
	v63 =	vld [tilespmem:$0x0]  }
0x14b: {  	s0 =	sadd.s32 $0x380, s28  }
0x14c: {  	[hbm4b:s0+s3] =	stream.linear.scatter [tilespmem:s10], [sflag:$0x10], $0x1900, $0x38;
	v63 =	vld [tilespmem:$0x0]  }
0x14d: {  	_ =	swait.ge [sflag:s21], $0x3200  }
0x14e: {  	[sflag:s21] =	ssyncset.done $0x0  }
0x14f: {  	[sflag:s21] =	ssyncadd.s32 $0xFFFFCE00  }
0x150: {  	_ =	swait.ge [sflag:s23], $0x3200  }
0x151: {  	s29 =	rddreg [dreg:$0xf]  }
0x152: {  	s30 =	rddreg [dreg:$0xd];
	s1 =	sadd.s32 $0x1, s29  }
0x153: {  	p0 =	sne.s32 s1, s30  }
.Ltmp1:
0x154: {  	_ = 	snop;
	(pc) =	sbr.rel @p0 .LBB2_1-.Ltmp1, $3  }
0x155: {  	_ =	sdelay $0x1  }
0x156: {  	s18 =	simm.s32 $0x4000;
	[sflag:s23] =	ssyncset.done $0x0  }
0x157: {  	s22 =	simm.s32 $0x5C00;
	s26 =	simm.s32 $0x7800;
	[sflag:s23] =	ssyncadd.s32 $0xFFFFCE00  }
0x158: {  	_ =	sfence.sel $0x180000  }
0x159: {  	[bflag:$0x0] =	sbarrier.arrive $0xFFFF  }
0x15a: {  	_ =	strace $0x90000047  }
0x15b: {  	s0 =	stileid.u32;
	[bflag:$0x2] =	sbarrier.arrive $0xFFFF  }
0x15c: {  	p0 =	sne.s32 s0, $0x0;
	s0 =	rddreg [dreg:$0x3]  }
0x15d: {  	s0 =	sadd.s32 @!p0 $0x100000, s0  }
0x15e: {  	[sflag:s0] =	ssyncadd.tile.s32 @!p0 $0x1;
	_ =	shalt  }
.Lfunc_end2:
_tile_overlayer_lowered:
.L_overlay_start_2:
0x15f: {  	(tag) =	ssettag $0x2  }
0x160: {  	s0 =	rddreg [dreg:$0x0];
	s2 =	stileid.u32  }
0x161: {  	s1 =	rddreg [dreg:$0x1];
	p0 =	sne.s32 s2, $0x0  }
0x162: {  	s3 =	rddreg [dreg:$0x2];
	[bflag:$0x3] =	sbarrier.arrive $0xFFFF;
	s2 =	simm.s32 @!p0 $0x1C11  }
0x163: {  	[timem:s3], [sflag:s2] =	dma.local @!p0 [hbm:s0], s1  }
0x164: {  	s0 =	simm.s32 @!p0 $0x11  }
0x165: {  	_ =	swait.ge @!p0 [sflag:s0], s1  }
0x166: {  	s1 =	ssub.s32 @!p0 $0x0, s1;
	[sflag:s0] =	ssyncset.done @!p0 $0x0  }
0x167: {  	[sflag:s0] =	ssyncadd.s32 @!p0 s1  }
0x168: {  	[bflag:$0x3] =	sbarrier.arrive $0xFFFF  }
0x169: {  	_ =	shalt  }

</sc_bundles>
